<compile_context>
chip_gen: v7x
topology: tpu7x:2x2x1
jax: 0.10.2.dev20260603
libtpu: 0.0.44.dev20260713+nightly
codegen_flags: <defaults>
</compile_context>

<pallas_src>
import functools

import jax
import jax.numpy as jnp
from jax import lax
from jax.experimental import pallas as pl
from jax.experimental.pallas import tpu as pltpu
from jax.experimental.pallas import tpu_sc as plsc

N = 10000
E = 320000
D = 128
H = 128
OUT = 64

NC = 2
NS = 16
NW = NC * NS
L = 16

EPT = E // NW
CH = 80
NCHUNK = EPT // CH
SBC = 25
NSB = NCHUNK // SBC
SBE = SBC * CH

NPAD = 10240
RPT = NPAD // NS

HQ = NPAD // 128
HB = 5000
HSTEPS = E // HB



def _tc_pre_body(x_ref, wp_ref, bp_ref, wm_ref, bm_ref,
                 h_ref, a_ref, b_ref):
    h = jnp.dot(x_ref[...], wp_ref[...],
                preferred_element_type=jnp.float32) + bp_ref[...]
    h_ref[...] = h
    a_ref[...] = jnp.dot(h, wm_ref[:H, :],
                         preferred_element_type=jnp.float32)
    b_ref[...] = (jnp.dot(h, wm_ref[H:, :],
                          preferred_element_type=jnp.float32) + bm_ref[...])


def _tc_pre(x, w_proj, b_proj, w_msg, b_msg):
    return pl.pallas_call(
        _tc_pre_body,
        out_shape=[
            jax.ShapeDtypeStruct((N, H), jnp.float32),
            jax.ShapeDtypeStruct((N, H), jnp.float32),
            jax.ShapeDtypeStruct((N, H), jnp.float32),
        ],
    )(x, w_proj, b_proj.reshape(1, H), w_msg, b_msg.reshape(1, H))


def _tc_hist_body(dst_ref, cnt_ref):
    iq = lax.broadcasted_iota(jnp.int32, (HQ, HB), 0)
    ir = lax.broadcasted_iota(jnp.int32, (HB, 128), 1)

    def _hstep(k, cnt):
        d = dst_ref[k, :]
        oq = (iq == (d // 128)[None, :]).astype(jnp.bfloat16)
        orr = (ir == (d % 128)[:, None]).astype(jnp.bfloat16)
        return cnt + jnp.dot(oq, orr, preferred_element_type=jnp.float32)

    cnt_ref[...] = lax.fori_loop(
        0, HSTEPS, _hstep, jnp.zeros((HQ, 128), jnp.float32))


def _tc_hist(dst):
    return pl.pallas_call(
        _tc_hist_body,
        out_shape=jax.ShapeDtypeStruct((HQ, 128), jnp.float32),
    )(dst.reshape(HSTEPS, HB))



_sc_mesh = plsc.VectorSubcoreMesh(
    core_axis_name="c", subcore_axis_name="s", num_cores=NC, num_subcores=NS)


@functools.partial(
    pl.kernel,
    out_type=jax.ShapeDtypeStruct((NC, NPAD, H), jnp.float32),
    mesh=_sc_mesh,
    scratch_types=[
        pltpu.VMEM((SBE,), jnp.int32),
        pltpu.VMEM((SBE,), jnp.int32),
        pltpu.VMEM((CH,), jnp.int32),
        pltpu.VMEM((CH, H), jnp.float32),
        pltpu.VMEM((CH, H), jnp.float32),
        pltpu.VMEM((CH, H), jnp.float32),
        pltpu.VMEM((CH, H), jnp.float32),
        pltpu.VMEM_SHARED((NPAD, H), jnp.float32),
        pltpu.SemaphoreType.DMA,
        pltpu.SemaphoreType.DMA,
        pltpu.SemaphoreType.DMA,
        pltpu.SemaphoreType.DMA,
    ],
)
def _sc_edge(a_hbm, b_hbm, src_hbm, dst_hbm, out_hbm,
             idx_s, idx_d, idx_w, a0, b0, a1, b1, acc,
             sa0, sb0, sa1, sb1):
    c = lax.axis_index("c")
    s = lax.axis_index("s")
    wid = c * NS + s
    ebase = wid * EPT

    zeros = jnp.zeros((L,), jnp.float32)

    def _zero_row(r, _):
        for j in range(H // L):
            a0[r, pl.ds(j * L, L)] = zeros
        return 0
    lax.fori_loop(0, CH, _zero_row, 0)
    rbase = s * RPT
    for k in range(RPT // CH):
        pltpu.sync_copy(a0, acc.at[pl.ds(rbase + k * CH, CH), :])

    plsc.subcore_barrier()

    def _issue_g(abuf, bbuf, sa, sb, ci):
        pltpu.async_copy(a_hbm.at[idx_s.at[pl.ds(ci * CH, CH)]], abuf, sa)
        pltpu.async_copy(b_hbm.at[idx_d.at[pl.ds(ci * CH, CH)]], bbuf, sb)

    def _wait_g(abuf, bbuf, sa, sb, ci):
        pltpu.make_async_copy(a_hbm.at[idx_s.at[pl.ds(ci * CH, CH)]],
                              abuf, sa).wait()
        pltpu.make_async_copy(b_hbm.at[idx_d.at[pl.ds(ci * CH, CH)]],
                              bbuf, sb).wait()

    def _reduce(abuf, bbuf, ci):
        for j in range(CH // L):
            idx_w[pl.ds(j * L, L)] = idx_d[pl.ds(ci * CH + j * L, L)]

        def _row(r, _):
            for j in range(H // L):
                sl = pl.ds(j * L, L)
                abuf[r, sl] = jnp.maximum(abuf[r, sl] + bbuf[r, sl], 0.0)
            return 0
        lax.fori_loop(0, CH, _row, 0)
        pltpu.sync_copy(abuf, acc.at[idx_w], add=True)

    def _sblock(sb, _):
        base = ebase + sb * SBE
        pltpu.sync_copy(src_hbm.at[pl.ds(base, SBE)], idx_s)
        pltpu.sync_copy(dst_hbm.at[pl.ds(base, SBE)], idx_d)
        _issue_g(a0, b0, sa0, sb0, 0)

        def _pair(t, _):
            ci0 = 2 * t
            ci1 = ci0 + 1
            _issue_g(a1, b1, sa1, sb1, ci1)
            _wait_g(a0, b0, sa0, sb0, ci0)
            _reduce(a0, b0, ci0)
            _issue_g(a0, b0, sa0, sb0, ci0 + 2)
            _wait_g(a1, b1, sa1, sb1, ci1)
            _reduce(a1, b1, ci1)
            return 0
        lax.fori_loop(0, SBC // 2, _pair, 0)
        _wait_g(a0, b0, sa0, sb0, SBC - 1)
        _reduce(a0, b0, SBC - 1)
        return 0
    lax.fori_loop(0, NSB, _sblock, 0)

    plsc.subcore_barrier()

    for k in range(RPT // CH):
        off = rbase + k * CH
        pltpu.sync_copy(acc.at[pl.ds(off, CH), :],
                        out_hbm.at[c, pl.ds(off, CH), :])



def _tc_post_body(h_ref, p_ref, cnt_ref, wn_ref, bn_ref, g_ref,
                  be_ref, wo_ref, bo_ref, o_ref):
    h = h_ref[...]
    psum = p_ref[0] + p_ref[1]
    iq = lax.broadcasted_iota(jnp.int32, (NPAD, HQ), 0)
    qq = lax.broadcasted_iota(jnp.int32, (NPAD, HQ), 1)
    oq = (iq // 128 == qq).astype(jnp.float32)
    ir = lax.broadcasted_iota(jnp.int32, (NPAD, 128), 0)
    rr = lax.broadcasted_iota(jnp.int32, (NPAD, 128), 1)
    orr = (ir % 128 == rr).astype(jnp.float32)
    tmp = jnp.dot(oq, cnt_ref[...], preferred_element_type=jnp.float32)
    cnt = jnp.sum(tmp * orr, axis=1, keepdims=True)
    pooled = (psum / jnp.maximum(cnt, 1.0))[:N, :]
    nxt = jnp.dot(h, wn_ref[:H, :], preferred_element_type=jnp.float32)
    nxt = nxt + jnp.dot(pooled, wn_ref[H:, :],
                        preferred_element_type=jnp.float32)
    nxt = jnp.maximum(nxt + bn_ref[...], 0.0)
    mu = jnp.mean(nxt, axis=-1, keepdims=True)
    var = jnp.mean((nxt - mu) * (nxt - mu), axis=-1, keepdims=True)
    ln = g_ref[...] * (nxt - mu) / jnp.sqrt(var + 1e-5) + be_ref[...]
    new_h = h + ln
    agg = jnp.sum(new_h, axis=0, keepdims=True) * (1.0 / N)
    o_ref[...] = jnp.dot(agg, wo_ref[...],
                         preferred_element_type=jnp.float32) + bo_ref[...]


def _tc_post(h, partials, counts, w_next, b_next, gamma, beta,
             w_out, b_out):
    return pl.pallas_call(
        _tc_post_body,
        out_shape=jax.ShapeDtypeStruct((1, OUT), jnp.float32),
    )(h, partials, counts, w_next, b_next.reshape(1, H),
      gamma.reshape(1, H), beta.reshape(1, H), w_out, b_out.reshape(1, OUT))



@jax.jit
def kernel(x, edge_index, W_proj, b_proj, W_msg, b_msg, W_next, b_next,
           gamma, beta, W_out, b_out):
    h, a, b = _tc_pre(x, W_proj, b_proj, W_msg, b_msg)
    src = edge_index[0]
    dst = edge_index[1]
    partials = _sc_edge(a, b, src, dst)
    counts = _tc_hist(dst)
    return _tc_post(h, partials, counts, W_next, b_next,
                    gamma, beta, W_out, b_out)

# --- scband reference (transcript-rebuilt; emitter-appended) ---
"""Pipeline reference for scband-gnnagent-53815940219242 (READ-ONLY COPY).

The authoritative reference and input builder live on the scoring server;
editing this copy changes nothing except your own understanding.
"""

import jax, jax.numpy as jnp
import numpy as np

N = 10000
E = 320000
D = 128
H = 128
OUT = 64


def _layer_norm(x, gamma, beta, eps=1e-5):
    mu = jnp.mean(x, axis=-1, keepdims=True)
    var = jnp.var(x, axis=-1, keepdims=True)
    return gamma * (x - mu) / jnp.sqrt(var + eps) + beta


def setup_inputs(seed: int = 0) -> dict:
    key = jax.random.key(seed)
    ks = jax.random.split(key, 8)
    x = jax.random.normal(ks[0], (N, D), dtype=jnp.float32)
    edge_index = jax.random.randint(ks[1], (2, E), 0, N, dtype=jnp.int32)
    W_proj = jax.random.normal(ks[2], (D, H), dtype=jnp.float32) / np.sqrt(D)
    b_proj = jnp.zeros((H,), dtype=jnp.float32)
    W_msg = jax.random.normal(ks[3], (2 * H, H), dtype=jnp.float32) / np.sqrt(2 * H)
    b_msg = jnp.zeros((H,), dtype=jnp.float32)
    W_next = jax.random.normal(ks[4], (2 * H, H), dtype=jnp.float32) / np.sqrt(2 * H)
    b_next = jnp.zeros((H,), dtype=jnp.float32)
    gamma = jnp.ones((H,), dtype=jnp.float32)
    beta = jnp.zeros((H,), dtype=jnp.float32)
    W_out = jax.random.normal(ks[5], (H, OUT), dtype=jnp.float32) / np.sqrt(H)
    b_out = jnp.zeros((OUT,), dtype=jnp.float32)
    return {"x": x, "edge_index": edge_index, "W_proj": W_proj, "b_proj": b_proj,
            "W_msg": W_msg, "b_msg": b_msg, "W_next": W_next, "b_next": b_next,
            "gamma": gamma, "beta": beta, "W_out": W_out, "b_out": b_out}


def reference(x, edge_index, W_proj, b_proj, W_msg, b_msg, W_next, b_next, gamma, beta, W_out, b_out):
    # projection_layer
    h = x @ W_proj + b_proj
    src = edge_index[0]
    dst = edge_index[1]
    # MtAlbis-style conv: message from concat(source_state, target_state), relu,
    # simple_conv_reduce_type='mean' pooled to receiver (TARGET)
    msg_in = jnp.concatenate([h[src], h[dst]], axis=-1)
    m = jax.nn.relu(msg_in @ W_msg + b_msg)
    summed = jax.ops.segment_sum(m, dst, num_segments=N)
    counts = jax.ops.segment_sum(jnp.ones((E,), dtype=jnp.float32), dst, num_segments=N)
    pooled = summed / jnp.maximum(counts, 1.0)[:, None]
    # next state: dense on concat(state, pooled messages), layer norm, residual
    # (state_dropout_rate is inference-disabled)
    nxt = jax.nn.relu(jnp.concatenate([h, pooled], axis=-1) @ W_next + b_next)
    new_h = h + _layer_norm(nxt, gamma, beta)
    # graph readout: mean over nodes, then output dense
    agg = jnp.mean(new_h, axis=0, keepdims=True)
    return agg @ W_out + b_out

if __name__ == "__main__":
    import jax
    _d = setup_inputs()
    print(jax.jit(kernel)(*tuple(_d.values())))

</pallas_src>

<mosaic_0001>
#map = affine_map<(d0, d1) -> (0, 0)>
#map1 = affine_map<(d0, d1) -> (0)>
#map2 = affine_map<(d0, d1) -> (0, 0, 0)>
module attributes {stable_mosaic.version = 14 : i64} {
  func.func @_sc_edge(%arg0: i32, %arg1: i32, %arg2: memref<10000x128xf32, #tpu.memory_space<hbm>>, %arg3: memref<10000x128xf32, #tpu.memory_space<hbm>>, %arg4: memref<320000xi32, #tpu.memory_space<hbm>>, %arg5: memref<320000xi32, #tpu.memory_space<hbm>>, %arg6: memref<2x10240x128xf32, #tpu.memory_space<hbm>>, %arg7: memref<2000xi32, #tpu.memory_space<vmem>>, %arg8: memref<2000xi32, #tpu.memory_space<vmem>>, %arg9: memref<80xi32, #tpu.memory_space<vmem>>, %arg10: memref<80x128xf32, #tpu.memory_space<vmem>>, %arg11: memref<80x128xf32, #tpu.memory_space<vmem>>, %arg12: memref<80x128xf32, #tpu.memory_space<vmem>>, %arg13: memref<80x128xf32, #tpu.memory_space<vmem>>, %arg14: memref<10240x128xf32, #tpu.memory_space<vmem_shared>>, %arg15: memref<!tpu.dma_semaphore, #tpu.memory_space<semaphore_mem>>, %arg16: memref<!tpu.dma_semaphore, #tpu.memory_space<semaphore_mem>>, %arg17: memref<!tpu.dma_semaphore, #tpu.memory_space<semaphore_mem>>, %arg18: memref<!tpu.dma_semaphore, #tpu.memory_space<semaphore_mem>>) attributes {dimension_semantics = [#tpu.dimension_semantics<core_parallel>, #tpu.dimension_semantics<subcore_parallel>], iteration_bounds = array<i64: 2, 16>, scalar_prefetch = 0 : i64, scratch_operands = 12 : i64, tpu.core_type = #tpu.core_type<sc_vector_subcore>, window_params = [{transform_indices = #map}, {transform_indices = #map}, {transform_indices = #map1}, {transform_indices = #map1}, {transform_indices = #map2}]} {
    %mul3A = arith.constant 16 : i32
    %mul3A_0 = arith.muli %arg0, %mul3A : i32
    %add3A = arith.addi %mul3A_0, %arg1 : i32
    %mul3A_1 = arith.constant 10000 : i32
    %mul3A_2 = arith.muli %add3A, %mul3A_1 : i32
    %broadcast_in_dim3A = arith.constant 0.000000e+00 : f32
    %broadcast_in_dim3A_3 = vector.broadcast %broadcast_in_dim3A : f32 to vector<16xf32>
    %scan3A = arith.constant 0 : i32
    %scan3A_4 = arith.constant 0 : i32
    %scan3A_5 = arith.constant 80 : i32
    %scan3A_6 = arith.addi %scan3A_4, %scan3A_5 : i32
    %scan3A_7 = arith.constant 1 : i32
    %scan3A_8 = scf.for %scan3A_52 = %scan3A_4 to %scan3A_6 step %scan3A_7 iter_args(%scan3A_53 = %scan3A) -> (i32)  : i32 {
      %swap3A = arith.index_cast %scan3A_52 : i32 to index
      %swap3A_54 = arith.constant 0 : index
      %swap3A_55 = tpu.vector_load %arg10[%swap3A, %swap3A_54] {strides = array<i32>} : memref<80x128xf32, #tpu.memory_space<vmem>>, vector<1x16xf32>,
      %swap3A_56 = vector.shape_cast %swap3A_55 : vector<1x16xf32> to vector<16xf32>
      %swap3A_57 = vector.shape_cast %broadcast_in_dim3A_3 : vector<16xf32> to vector<1x16xf32>
      tpu.vector_store %arg10[%swap3A, %swap3A_54], %swap3A_57 {strides = array<i32>} : memref<80x128xf32, #tpu.memory_space<vmem>>, vector<1x16xf32>,
      %swap3A_58 = arith.index_cast %scan3A_52 : i32 to index
      %swap3A_59 = arith.constant 16 : index
      %swap3A_60 = tpu.vector_load %arg10[%swap3A_58, %swap3A_59] {strides = array<i32>} : memref<80x128xf32, #tpu.memory_space<vmem>>, vector<1x16xf32>,
      %swap3A_61 = vector.shape_cast %swap3A_60 : vector<1x16xf32> to vector<16xf32>
      %swap3A_62 = vector.shape_cast %broadcast_in_dim3A_3 : vector<16xf32> to vector<1x16xf32>
      tpu.vector_store %arg10[%swap3A_58, %swap3A_59], %swap3A_62 {strides = array<i32>} : memref<80x128xf32, #tpu.memory_space<vmem>>, vector<1x16xf32>,
      %swap3A_63 = arith.index_cast %scan3A_52 : i32 to index
      %swap3A_64 = arith.constant 32 : index
      %swap3A_65 = tpu.vector_load %arg10[%swap3A_63, %swap3A_64] {strides = array<i32>} : memref<80x128xf32, #tpu.memory_space<vmem>>, vector<1x16xf32>,
      %swap3A_66 = vector.shape_cast %swap3A_65 : vector<1x16xf32> to vector<16xf32>
      %swap3A_67 = vector.shape_cast %broadcast_in_dim3A_3 : vector<16xf32> to vector<1x16xf32>
      tpu.vector_store %arg10[%swap3A_63, %swap3A_64], %swap3A_67 {strides = array<i32>} : memref<80x128xf32, #tpu.memory_space<vmem>>, vector<1x16xf32>,
      %swap3A_68 = arith.index_cast %scan3A_52 : i32 to index
      %swap3A_69 = arith.constant 48 : index
      %swap3A_70 = tpu.vector_load %arg10[%swap3A_68, %swap3A_69] {strides = array<i32>} : memref<80x128xf32, #tpu.memory_space<vmem>>, vector<1x16xf32>,
      %swap3A_71 = vector.shape_cast %swap3A_70 : vector<1x16xf32> to vector<16xf32>
      %swap3A_72 = vector.shape_cast %broadcast_in_dim3A_3 : vector<16xf32> to vector<1x16xf32>
      tpu.vector_store %arg10[%swap3A_68, %swap3A_69], %swap3A_72 {strides = array<i32>} : memref<80x128xf32, #tpu.memory_space<vmem>>, vector<1x16xf32>,
      %swap3A_73 = arith.index_cast %scan3A_52 : i32 to index
      %swap3A_74 = arith.constant 64 : index
      %swap3A_75 = tpu.vector_load %arg10[%swap3A_73, %swap3A_74] {strides = array<i32>} : memref<80x128xf32, #tpu.memory_space<vmem>>, vector<1x16xf32>,
      %swap3A_76 = vector.shape_cast %swap3A_75 : vector<1x16xf32> to vector<16xf32>
      %swap3A_77 = vector.shape_cast %broadcast_in_dim3A_3 : vector<16xf32> to vector<1x16xf32>
      tpu.vector_store %arg10[%swap3A_73, %swap3A_74], %swap3A_77 {strides = array<i32>} : memref<80x128xf32, #tpu.memory_space<vmem>>, vector<1x16xf32>,
      %swap3A_78 = arith.index_cast %scan3A_52 : i32 to index
      %swap3A_79 = arith.constant 80 : index
      %swap3A_80 = tpu.vector_load %arg10[%swap3A_78, %swap3A_79] {strides = array<i32>} : memref<80x128xf32, #tpu.memory_space<vmem>>, vector<1x16xf32>,
      %swap3A_81 = vector.shape_cast %swap3A_80 : vector<1x16xf32> to vector<16xf32>
      %swap3A_82 = vector.shape_cast %broadcast_in_dim3A_3 : vector<16xf32> to vector<1x16xf32>
      tpu.vector_store %arg10[%swap3A_78, %swap3A_79], %swap3A_82 {strides = array<i32>} : memref<80x128xf32, #tpu.memory_space<vmem>>, vector<1x16xf32>,
      %swap3A_83 = arith.index_cast %scan3A_52 : i32 to index
      %swap3A_84 = arith.constant 96 : index
      %swap3A_85 = tpu.vector_load %arg10[%swap3A_83, %swap3A_84] {strides = array<i32>} : memref<80x128xf32, #tpu.memory_space<vmem>>, vector<1x16xf32>,
      %swap3A_86 = vector.shape_cast %swap3A_85 : vector<1x16xf32> to vector<16xf32>
      %swap3A_87 = vector.shape_cast %broadcast_in_dim3A_3 : vector<16xf32> to vector<1x16xf32>
      tpu.vector_store %arg10[%swap3A_83, %swap3A_84], %swap3A_87 {strides = array<i32>} : memref<80x128xf32, #tpu.memory_space<vmem>>, vector<1x16xf32>,
      %swap3A_88 = arith.index_cast %scan3A_52 : i32 to index
      %swap3A_89 = arith.constant 112 : index
      %swap3A_90 = tpu.vector_load %arg10[%swap3A_88, %swap3A_89] {strides = array<i32>} : memref<80x128xf32, #tpu.memory_space<vmem>>, vector<1x16xf32>,
      %swap3A_91 = vector.shape_cast %swap3A_90 : vector<1x16xf32> to vector<16xf32>
      %swap3A_92 = vector.shape_cast %broadcast_in_dim3A_3 : vector<16xf32> to vector<1x16xf32>
      tpu.vector_store %arg10[%swap3A_88, %swap3A_89], %swap3A_92 {strides = array<i32>} : memref<80x128xf32, #tpu.memory_space<vmem>>, vector<1x16xf32>,
      %scan3A_93 = arith.constant 0 : i32
      scf.yield %scan3A_93 : i32
    }
    %scan3A_9 = arith.constant 80 : i32
    %mul3A_10 = arith.constant 640 : i32
    %mul3A_11 = arith.muli %arg1, %mul3A_10 : i32
    %add3A_12 = arith.constant 0 : i32
    %add3A_13 = arith.addi %mul3A_11, %add3A_12 : i32
    "tpu.region"() ({
      %run_scoped3A = tpu.sem_alloc : memref<!tpu.dma_semaphore, #tpu.memory_space<semaphore_mem>>
      %dma_start3A = arith.constant 0 : i32
      %dma_start3A_52 = tpu.memref_slice %arg14[%add3A_13, %dma_start3A] : memref<10240x128xf32, #tpu.memory_space<vmem_shared>> -> memref<80x128xf32, #tpu.memory_space<vmem_shared>>
      %dma_start3A_53 = arith.constant 0 : i32
      %dma_start3A_54 = tpu.memref_slice %arg14[%add3A_13, %dma_start3A_53] : memref<10240x128xf32, #tpu.memory_space<vmem_shared>> -> memref<80x128xf32, #tpu.memory_space<vmem_shared>>
      tpu.enqueue_dma source(%arg10 : memref<80x128xf32, #tpu.memory_space<vmem>>) target(%dma_start3A_54 : memref<80x128xf32, #tpu.memory_space<vmem_shared>>) target_semaphore(%run_scoped3A : memref<!tpu.dma_semaphore, #tpu.memory_space<semaphore_mem>>)
      %dma_wait3A = arith.constant 0 : i32
      %dma_wait3A_55 = tpu.memref_slice %arg14[%add3A_13, %dma_wait3A] : memref<10240x128xf32, #tpu.memory_space<vmem_shared>> -> memref<80x128xf32, #tpu.memory_space<vmem_shared>>
      %dma_wait3A_56 = arith.constant 0 : i32
      %dma_wait3A_57 = tpu.memref_slice %arg14[%add3A_13, %dma_wait3A_56] : memref<10240x128xf32, #tpu.memory_space<vmem_shared>> -> memref<80x128xf32, #tpu.memory_space<vmem_shared>>
      tpu.wait_dma2 semaphore(%run_scoped3A : memref<!tpu.dma_semaphore, #tpu.memory_space<semaphore_mem>>) src(%arg10 : memref<80x128xf32, #tpu.memory_space<vmem>>) dst(%dma_wait3A_57 : memref<80x128xf32, #tpu.memory_space<vmem_shared>>)
      tpu.yield
    }) : () -> ()
    %add3A_14 = arith.constant 80 : i32
    %add3A_15 = arith.addi %mul3A_11, %add3A_14 : i32
    "tpu.region"() ({
      %run_scoped3A = tpu.sem_alloc : memref<!tpu.dma_semaphore, #tpu.memory_space<semaphore_mem>>
      %dma_start3A = arith.constant 0 : i32
      %dma_start3A_52 = tpu.memref_slice %arg14[%add3A_15, %dma_start3A] : memref<10240x128xf32, #tpu.memory_space<vmem_shared>> -> memref<80x128xf32, #tpu.memory_space<vmem_shared>>
      %dma_start3A_53 = arith.constant 0 : i32
      %dma_start3A_54 = tpu.memref_slice %arg14[%add3A_15, %dma_start3A_53] : memref<10240x128xf32, #tpu.memory_space<vmem_shared>> -> memref<80x128xf32, #tpu.memory_space<vmem_shared>>
      tpu.enqueue_dma source(%arg10 : memref<80x128xf32, #tpu.memory_space<vmem>>) target(%dma_start3A_54 : memref<80x128xf32, #tpu.memory_space<vmem_shared>>) target_semaphore(%run_scoped3A : memref<!tpu.dma_semaphore, #tpu.memory_space<semaphore_mem>>)
      %dma_wait3A = arith.constant 0 : i32
      %dma_wait3A_55 = tpu.memref_slice %arg14[%add3A_15, %dma_wait3A] : memref<10240x128xf32, #tpu.memory_space<vmem_shared>> -> memref<80x128xf32, #tpu.memory_space<vmem_shared>>
      %dma_wait3A_56 = arith.constant 0 : i32
      %dma_wait3A_57 = tpu.memref_slice %arg14[%add3A_15, %dma_wait3A_56] : memref<10240x128xf32, #tpu.memory_space<vmem_shared>> -> memref<80x128xf32, #tpu.memory_space<vmem_shared>>
      tpu.wait_dma2 semaphore(%run_scoped3A : memref<!tpu.dma_semaphore, #tpu.memory_space<semaphore_mem>>) src(%arg10 : memref<80x128xf32, #tpu.memory_space<vmem>>) dst(%dma_wait3A_57 : memref<80x128xf32, #tpu.memory_space<vmem_shared>>)
      tpu.yield
    }) : () -> ()
    %add3A_16 = arith.constant 160 : i32
    %add3A_17 = arith.addi %mul3A_11, %add3A_16 : i32
    "tpu.region"() ({
      %run_scoped3A = tpu.sem_alloc : memref<!tpu.dma_semaphore, #tpu.memory_space<semaphore_mem>>
      %dma_start3A = arith.constant 0 : i32
      %dma_start3A_52 = tpu.memref_slice %arg14[%add3A_17, %dma_start3A] : memref<10240x128xf32, #tpu.memory_space<vmem_shared>> -> memref<80x128xf32, #tpu.memory_space<vmem_shared>>
      %dma_start3A_53 = arith.constant 0 : i32
      %dma_start3A_54 = tpu.memref_slice %arg14[%add3A_17, %dma_start3A_53] : memref<10240x128xf32, #tpu.memory_space<vmem_shared>> -> memref<80x128xf32, #tpu.memory_space<vmem_shared>>
      tpu.enqueue_dma source(%arg10 : memref<80x128xf32, #tpu.memory_space<vmem>>) target(%dma_start3A_54 : memref<80x128xf32, #tpu.memory_space<vmem_shared>>) target_semaphore(%run_scoped3A : memref<!tpu.dma_semaphore, #tpu.memory_space<semaphore_mem>>)
      %dma_wait3A = arith.constant 0 : i32
      %dma_wait3A_55 = tpu.memref_slice %arg14[%add3A_17, %dma_wait3A] : memref<10240x128xf32, #tpu.memory_space<vmem_shared>> -> memref<80x128xf32, #tpu.memory_space<vmem_shared>>
      %dma_wait3A_56 = arith.constant 0 : i32
      %dma_wait3A_57 = tpu.memref_slice %arg14[%add3A_17, %dma_wait3A_56] : memref<10240x128xf32, #tpu.memory_space<vmem_shared>> -> memref<80x128xf32, #tpu.memory_space<vmem_shared>>
      tpu.wait_dma2 semaphore(%run_scoped3A : memref<!tpu.dma_semaphore, #tpu.memory_space<semaphore_mem>>) src(%arg10 : memref<80x128xf32, #tpu.memory_space<vmem>>) dst(%dma_wait3A_57 : memref<80x128xf32, #tpu.memory_space<vmem_shared>>)
      tpu.yield
    }) : () -> ()
    %add3A_18 = arith.constant 240 : i32
    %add3A_19 = arith.addi %mul3A_11, %add3A_18 : i32
    "tpu.region"() ({
      %run_scoped3A = tpu.sem_alloc : memref<!tpu.dma_semaphore, #tpu.memory_space<semaphore_mem>>
      %dma_start3A = arith.constant 0 : i32
      %dma_start3A_52 = tpu.memref_slice %arg14[%add3A_19, %dma_start3A] : memref<10240x128xf32, #tpu.memory_space<vmem_shared>> -> memref<80x128xf32, #tpu.memory_space<vmem_shared>>
      %dma_start3A_53 = arith.constant 0 : i32
      %dma_start3A_54 = tpu.memref_slice %arg14[%add3A_19, %dma_start3A_53] : memref<10240x128xf32, #tpu.memory_space<vmem_shared>> -> memref<80x128xf32, #tpu.memory_space<vmem_shared>>
      tpu.enqueue_dma source(%arg10 : memref<80x128xf32, #tpu.memory_space<vmem>>) target(%dma_start3A_54 : memref<80x128xf32, #tpu.memory_space<vmem_shared>>) target_semaphore(%run_scoped3A : memref<!tpu.dma_semaphore, #tpu.memory_space<semaphore_mem>>)
      %dma_wait3A = arith.constant 0 : i32
      %dma_wait3A_55 = tpu.memref_slice %arg14[%add3A_19, %dma_wait3A] : memref<10240x128xf32, #tpu.memory_space<vmem_shared>> -> memref<80x128xf32, #tpu.memory_space<vmem_shared>>
      %dma_wait3A_56 = arith.constant 0 : i32
      %dma_wait3A_57 = tpu.memref_slice %arg14[%add3A_19, %dma_wait3A_56] : memref<10240x128xf32, #tpu.memory_space<vmem_shared>> -> memref<80x128xf32, #tpu.memory_space<vmem_shared>>
      tpu.wait_dma2 semaphore(%run_scoped3A : memref<!tpu.dma_semaphore, #tpu.memory_space<semaphore_mem>>) src(%arg10 : memref<80x128xf32, #tpu.memory_space<vmem>>) dst(%dma_wait3A_57 : memref<80x128xf32, #tpu.memory_space<vmem_shared>>)
      tpu.yield
    }) : () -> ()
    %add3A_20 = arith.constant 320 : i32
    %add3A_21 = arith.addi %mul3A_11, %add3A_20 : i32
    "tpu.region"() ({
      %run_scoped3A = tpu.sem_alloc : memref<!tpu.dma_semaphore, #tpu.memory_space<semaphore_mem>>
      %dma_start3A = arith.constant 0 : i32
      %dma_start3A_52 = tpu.memref_slice %arg14[%add3A_21, %dma_start3A] : memref<10240x128xf32, #tpu.memory_space<vmem_shared>> -> memref<80x128xf32, #tpu.memory_space<vmem_shared>>
      %dma_start3A_53 = arith.constant 0 : i32
      %dma_start3A_54 = tpu.memref_slice %arg14[%add3A_21, %dma_start3A_53] : memref<10240x128xf32, #tpu.memory_space<vmem_shared>> -> memref<80x128xf32, #tpu.memory_space<vmem_shared>>
      tpu.enqueue_dma source(%arg10 : memref<80x128xf32, #tpu.memory_space<vmem>>) target(%dma_start3A_54 : memref<80x128xf32, #tpu.memory_space<vmem_shared>>) target_semaphore(%run_scoped3A : memref<!tpu.dma_semaphore, #tpu.memory_space<semaphore_mem>>)
      %dma_wait3A = arith.constant 0 : i32
      %dma_wait3A_55 = tpu.memref_slice %arg14[%add3A_21, %dma_wait3A] : memref<10240x128xf32, #tpu.memory_space<vmem_shared>> -> memref<80x128xf32, #tpu.memory_space<vmem_shared>>
      %dma_wait3A_56 = arith.constant 0 : i32
      %dma_wait3A_57 = tpu.memref_slice %arg14[%add3A_21, %dma_wait3A_56] : memref<10240x128xf32, #tpu.memory_space<vmem_shared>> -> memref<80x128xf32, #tpu.memory_space<vmem_shared>>
      tpu.wait_dma2 semaphore(%run_scoped3A : memref<!tpu.dma_semaphore, #tpu.memory_space<semaphore_mem>>) src(%arg10 : memref<80x128xf32, #tpu.memory_space<vmem>>) dst(%dma_wait3A_57 : memref<80x128xf32, #tpu.memory_space<vmem_shared>>)
      tpu.yield
    }) : () -> ()
    %add3A_22 = arith.constant 400 : i32
    %add3A_23 = arith.addi %mul3A_11, %add3A_22 : i32
    "tpu.region"() ({
      %run_scoped3A = tpu.sem_alloc : memref<!tpu.dma_semaphore, #tpu.memory_space<semaphore_mem>>
      %dma_start3A = arith.constant 0 : i32
      %dma_start3A_52 = tpu.memref_slice %arg14[%add3A_23, %dma_start3A] : memref<10240x128xf32, #tpu.memory_space<vmem_shared>> -> memref<80x128xf32, #tpu.memory_space<vmem_shared>>
      %dma_start3A_53 = arith.constant 0 : i32
      %dma_start3A_54 = tpu.memref_slice %arg14[%add3A_23, %dma_start3A_53] : memref<10240x128xf32, #tpu.memory_space<vmem_shared>> -> memref<80x128xf32, #tpu.memory_space<vmem_shared>>
      tpu.enqueue_dma source(%arg10 : memref<80x128xf32, #tpu.memory_space<vmem>>) target(%dma_start3A_54 : memref<80x128xf32, #tpu.memory_space<vmem_shared>>) target_semaphore(%run_scoped3A : memref<!tpu.dma_semaphore, #tpu.memory_space<semaphore_mem>>)
      %dma_wait3A = arith.constant 0 : i32
      %dma_wait3A_55 = tpu.memref_slice %arg14[%add3A_23, %dma_wait3A] : memref<10240x128xf32, #tpu.memory_space<vmem_shared>> -> memref<80x128xf32, #tpu.memory_space<vmem_shared>>
      %dma_wait3A_56 = arith.constant 0 : i32
      %dma_wait3A_57 = tpu.memref_slice %arg14[%add3A_23, %dma_wait3A_56] : memref<10240x128xf32, #tpu.memory_space<vmem_shared>> -> memref<80x128xf32, #tpu.memory_space<vmem_shared>>
      tpu.wait_dma2 semaphore(%run_scoped3A : memref<!tpu.dma_semaphore, #tpu.memory_space<semaphore_mem>>) src(%arg10 : memref<80x128xf32, #tpu.memory_space<vmem>>) dst(%dma_wait3A_57 : memref<80x128xf32, #tpu.memory_space<vmem_shared>>)
      tpu.yield
    }) : () -> ()
    %add3A_24 = arith.constant 480 : i32
    %add3A_25 = arith.addi %mul3A_11, %add3A_24 : i32
    "tpu.region"() ({
      %run_scoped3A = tpu.sem_alloc : memref<!tpu.dma_semaphore, #tpu.memory_space<semaphore_mem>>
      %dma_start3A = arith.constant 0 : i32
      %dma_start3A_52 = tpu.memref_slice %arg14[%add3A_25, %dma_start3A] : memref<10240x128xf32, #tpu.memory_space<vmem_shared>> -> memref<80x128xf32, #tpu.memory_space<vmem_shared>>
      %dma_start3A_53 = arith.constant 0 : i32
      %dma_start3A_54 = tpu.memref_slice %arg14[%add3A_25, %dma_start3A_53] : memref<10240x128xf32, #tpu.memory_space<vmem_shared>> -> memref<80x128xf32, #tpu.memory_space<vmem_shared>>
      tpu.enqueue_dma source(%arg10 : memref<80x128xf32, #tpu.memory_space<vmem>>) target(%dma_start3A_54 : memref<80x128xf32, #tpu.memory_space<vmem_shared>>) target_semaphore(%run_scoped3A : memref<!tpu.dma_semaphore, #tpu.memory_space<semaphore_mem>>)
      %dma_wait3A = arith.constant 0 : i32
      %dma_wait3A_55 = tpu.memref_slice %arg14[%add3A_25, %dma_wait3A] : memref<10240x128xf32, #tpu.memory_space<vmem_shared>> -> memref<80x128xf32, #tpu.memory_space<vmem_shared>>
      %dma_wait3A_56 = arith.constant 0 : i32
      %dma_wait3A_57 = tpu.memref_slice %arg14[%add3A_25, %dma_wait3A_56] : memref<10240x128xf32, #tpu.memory_space<vmem_shared>> -> memref<80x128xf32, #tpu.memory_space<vmem_shared>>
      tpu.wait_dma2 semaphore(%run_scoped3A : memref<!tpu.dma_semaphore, #tpu.memory_space<semaphore_mem>>) src(%arg10 : memref<80x128xf32, #tpu.memory_space<vmem>>) dst(%dma_wait3A_57 : memref<80x128xf32, #tpu.memory_space<vmem_shared>>)
      tpu.yield
    }) : () -> ()
    %add3A_26 = arith.constant 560 : i32
    %add3A_27 = arith.addi %mul3A_11, %add3A_26 : i32
    "tpu.region"() ({
      %run_scoped3A = tpu.sem_alloc : memref<!tpu.dma_semaphore, #tpu.memory_space<semaphore_mem>>
      %dma_start3A = arith.constant 0 : i32
      %dma_start3A_52 = tpu.memref_slice %arg14[%add3A_27, %dma_start3A] : memref<10240x128xf32, #tpu.memory_space<vmem_shared>> -> memref<80x128xf32, #tpu.memory_space<vmem_shared>>
      %dma_start3A_53 = arith.constant 0 : i32
      %dma_start3A_54 = tpu.memref_slice %arg14[%add3A_27, %dma_start3A_53] : memref<10240x128xf32, #tpu.memory_space<vmem_shared>> -> memref<80x128xf32, #tpu.memory_space<vmem_shared>>
      tpu.enqueue_dma source(%arg10 : memref<80x128xf32, #tpu.memory_space<vmem>>) target(%dma_start3A_54 : memref<80x128xf32, #tpu.memory_space<vmem_shared>>) target_semaphore(%run_scoped3A : memref<!tpu.dma_semaphore, #tpu.memory_space<semaphore_mem>>)
      %dma_wait3A = arith.constant 0 : i32
      %dma_wait3A_55 = tpu.memref_slice %arg14[%add3A_27, %dma_wait3A] : memref<10240x128xf32, #tpu.memory_space<vmem_shared>> -> memref<80x128xf32, #tpu.memory_space<vmem_shared>>
      %dma_wait3A_56 = arith.constant 0 : i32
      %dma_wait3A_57 = tpu.memref_slice %arg14[%add3A_27, %dma_wait3A_56] : memref<10240x128xf32, #tpu.memory_space<vmem_shared>> -> memref<80x128xf32, #tpu.memory_space<vmem_shared>>
      tpu.wait_dma2 semaphore(%run_scoped3A : memref<!tpu.dma_semaphore, #tpu.memory_space<semaphore_mem>>) src(%arg10 : memref<80x128xf32, #tpu.memory_space<vmem>>) dst(%dma_wait3A_57 : memref<80x128xf32, #tpu.memory_space<vmem_shared>>)
      tpu.yield
    }) : () -> ()
    %barrier3A = arith.constant 0 : index
    tpu.barrier barrier_id(%barrier3A)
    %scan3A_28 = arith.constant 0 : i32
    %scan3A_29 = arith.constant 0 : i32
    %scan3A_30 = arith.constant 5 : i32
    %scan3A_31 = arith.addi %scan3A_29, %scan3A_30 : i32
    %scan3A_32 = arith.constant 1 : i32
    %scan3A_33 = scf.for %scan3A_52 = %scan3A_29 to %scan3A_31 step %scan3A_32 iter_args(%scan3A_53 = %scan3A_28) -> (i32)  : i32 {
      %mul3A_54 = arith.constant 2000 : i32
      %mul3A_55 = arith.muli %scan3A_52, %mul3A_54 : i32
      %add3A_56 = arith.addi %mul3A_2, %mul3A_55 : i32
      "tpu.region"() ({
        %run_scoped3A = tpu.sem_alloc : memref<!tpu.dma_semaphore, #tpu.memory_space<semaphore_mem>>
        %dma_start3A_123 = tpu.memref_slice %arg4[%add3A_56] : memref<320000xi32, #tpu.memory_space<hbm>> -> memref<2000xi32, #tpu.memory_space<hbm>>
        %dma_start3A_124 = tpu.memref_slice %arg4[%add3A_56] : memref<320000xi32, #tpu.memory_space<hbm>> -> memref<2000xi32, #tpu.memory_space<hbm>>
        tpu.enqueue_dma source(%dma_start3A_124 : memref<2000xi32, #tpu.memory_space<hbm>>) target(%arg7 : memref<2000xi32, #tpu.memory_space<vmem>>) target_semaphore(%run_scoped3A : memref<!tpu.dma_semaphore, #tpu.memory_space<semaphore_mem>>)
        %dma_wait3A_125 = tpu.memref_slice %arg4[%add3A_56] : memref<320000xi32, #tpu.memory_space<hbm>> -> memref<2000xi32, #tpu.memory_space<hbm>>
        %dma_wait3A_126 = tpu.memref_slice %arg4[%add3A_56] : memref<320000xi32, #tpu.memory_space<hbm>> -> memref<2000xi32, #tpu.memory_space<hbm>>
        tpu.wait_dma2 semaphore(%run_scoped3A : memref<!tpu.dma_semaphore, #tpu.memory_space<semaphore_mem>>) src(%dma_wait3A_126 : memref<2000xi32, #tpu.memory_space<hbm>>) dst(%arg7 : memref<2000xi32, #tpu.memory_space<vmem>>)
        tpu.yield
      }) : () -> ()
      "tpu.region"() ({
        %run_scoped3A = tpu.sem_alloc : memref<!tpu.dma_semaphore, #tpu.memory_space<semaphore_mem>>
        %dma_start3A_123 = tpu.memref_slice %arg5[%add3A_56] : memref<320000xi32, #tpu.memory_space<hbm>> -> memref<2000xi32, #tpu.memory_space<hbm>>
        %dma_start3A_124 = tpu.memref_slice %arg5[%add3A_56] : memref<320000xi32, #tpu.memory_space<hbm>> -> memref<2000xi32, #tpu.memory_space<hbm>>
        tpu.enqueue_dma source(%dma_start3A_124 : memref<2000xi32, #tpu.memory_space<hbm>>) target(%arg8 : memref<2000xi32, #tpu.memory_space<vmem>>) target_semaphore(%run_scoped3A : memref<!tpu.dma_semaphore, #tpu.memory_space<semaphore_mem>>)
        %dma_wait3A_125 = tpu.memref_slice %arg5[%add3A_56] : memref<320000xi32, #tpu.memory_space<hbm>> -> memref<2000xi32, #tpu.memory_space<hbm>>
        %dma_wait3A_126 = tpu.memref_slice %arg5[%add3A_56] : memref<320000xi32, #tpu.memory_space<hbm>> -> memref<2000xi32, #tpu.memory_space<hbm>>
        tpu.wait_dma2 semaphore(%run_scoped3A : memref<!tpu.dma_semaphore, #tpu.memory_space<semaphore_mem>>) src(%dma_wait3A_126 : memref<2000xi32, #tpu.memory_space<hbm>>) dst(%arg8 : memref<2000xi32, #tpu.memory_space<vmem>>)
        tpu.yield
      }) : () -> ()
      %dma_start3A = arith.constant 0 : i32
      %dma_start3A_57 = tpu.memref_slice %arg7[%dma_start3A] : memref<2000xi32, #tpu.memory_space<vmem>> -> memref<80xi32, #tpu.memory_space<vmem>>
      %dma_start3A_58 = arith.constant 0 : i32
      %dma_start3A_59 = arith.constant 0 : i32
      %dma_start3A_60 = tpu.memref_slice %arg2[%dma_start3A_58, %dma_start3A_59] : memref<10000x128xf32, #tpu.memory_space<hbm>> -> memref<10000x128xf32, #tpu.memory_space<hbm>>
      tpu.enqueue_indirect_dma source(%dma_start3A_60 : memref<10000x128xf32, #tpu.memory_space<hbm>>) target(%arg10 : memref<80x128xf32, #tpu.memory_space<vmem>>) offsets(%dma_start3A_57 : memref<80xi32, #tpu.memory_space<vmem>>) semaphore(%arg15 : memref<!tpu.dma_semaphore, #tpu.memory_space<semaphore_mem>>)
      %dma_start3A_61 = arith.constant 0 : i32
      %dma_start3A_62 = tpu.memref_slice %arg8[%dma_start3A_61] : memref<2000xi32, #tpu.memory_space<vmem>> -> memref<80xi32, #tpu.memory_space<vmem>>
      %dma_start3A_63 = arith.constant 0 : i32
      %dma_start3A_64 = arith.constant 0 : i32
      %dma_start3A_65 = tpu.memref_slice %arg3[%dma_start3A_63, %dma_start3A_64] : memref<10000x128xf32, #tpu.memory_space<hbm>> -> memref<10000x128xf32, #tpu.memory_space<hbm>>
      tpu.enqueue_indirect_dma source(%dma_start3A_65 : memref<10000x128xf32, #tpu.memory_space<hbm>>) target(%arg11 : memref<80x128xf32, #tpu.memory_space<vmem>>) offsets(%dma_start3A_62 : memref<80xi32, #tpu.memory_space<vmem>>) semaphore(%arg16 : memref<!tpu.dma_semaphore, #tpu.memory_space<semaphore_mem>>)
      %scan3A_66 = arith.constant 0 : i32
      %scan3A_67 = arith.constant 0 : i32
      %scan3A_68 = arith.constant 12 : i32
      %scan3A_69 = arith.addi %scan3A_67, %scan3A_68 : i32
      %scan3A_70 = arith.constant 1 : i32
      %scan3A_71 = scf.for %scan3A_123 = %scan3A_67 to %scan3A_69 step %scan3A_70 iter_args(%scan3A_124 = %scan3A_66) -> (i32)  : i32 {
        %mul3A_125 = arith.constant 2 : i32
        %mul3A_126 = arith.muli %mul3A_125, %scan3A_123 : i32
        %add3A_127 = arith.constant 1 : i32
        %add3A_128 = arith.addi %mul3A_126, %add3A_127 : i32
        %mul3A_129 = arith.constant 80 : i32
        %mul3A_130 = arith.muli %add3A_128, %mul3A_129 : i32
        %dma_start3A_131 = tpu.memref_slice %arg7[%mul3A_130] : memref<2000xi32, #tpu.memory_space<vmem>> -> memref<80xi32, #tpu.memory_space<vmem>>
        %dma_start3A_132 = arith.constant 0 : i32
        %dma_start3A_133 = arith.constant 0 : i32
        %dma_start3A_134 = tpu.memref_slice %arg2[%dma_start3A_132, %dma_start3A_133] : memref<10000x128xf32, #tpu.memory_space<hbm>> -> memref<10000x128xf32, #tpu.memory_space<hbm>>
        tpu.enqueue_indirect_dma source(%dma_start3A_134 : memref<10000x128xf32, #tpu.memory_space<hbm>>) target(%arg12 : memref<80x128xf32, #tpu.memory_space<vmem>>) offsets(%dma_start3A_131 : memref<80xi32, #tpu.memory_space<vmem>>) semaphore(%arg17 : memref<!tpu.dma_semaphore, #tpu.memory_space<semaphore_mem>>)
        %mul3A_135 = arith.constant 80 : i32
        %mul3A_136 = arith.muli %add3A_128, %mul3A_135 : i32
        %dma_start3A_137 = tpu.memref_slice %arg8[%mul3A_136] : memref<2000xi32, #tpu.memory_space<vmem>> -> memref<80xi32, #tpu.memory_space<vmem>>
        %dma_start3A_138 = arith.constant 0 : i32
        %dma_start3A_139 = arith.constant 0 : i32
        %dma_start3A_140 = tpu.memref_slice %arg3[%dma_start3A_138, %dma_start3A_139] : memref<10000x128xf32, #tpu.memory_space<hbm>> -> memref<10000x128xf32, #tpu.memory_space<hbm>>
        tpu.enqueue_indirect_dma source(%dma_start3A_140 : memref<10000x128xf32, #tpu.memory_space<hbm>>) target(%arg13 : memref<80x128xf32, #tpu.memory_space<vmem>>) offsets(%dma_start3A_137 : memref<80xi32, #tpu.memory_space<vmem>>) semaphore(%arg18 : memref<!tpu.dma_semaphore, #tpu.memory_space<semaphore_mem>>)
        %mul3A_141 = arith.constant 80 : i32
        %mul3A_142 = arith.muli %mul3A_126, %mul3A_141 : i32
        %dma_wait3A_143 = tpu.memref_slice %arg7[%mul3A_142] : memref<2000xi32, #tpu.memory_space<vmem>> -> memref<80xi32, #tpu.memory_space<vmem>>
        %dma_wait3A_144 = arith.constant 0 : i32
        %dma_wait3A_145 = arith.constant 0 : i32
        %dma_wait3A_146 = tpu.memref_slice %arg2[%dma_wait3A_144, %dma_wait3A_145] : memref<10000x128xf32, #tpu.memory_space<hbm>> -> memref<10000x128xf32, #tpu.memory_space<hbm>>
        tpu.wait_indirect_dma semaphore(%arg15 : memref<!tpu.dma_semaphore, #tpu.memory_space<semaphore_mem>>) src(%dma_wait3A_146 : memref<10000x128xf32, #tpu.memory_space<hbm>>) dst(%arg10 : memref<80x128xf32, #tpu.memory_space<vmem>>)
        %mul3A_147 = arith.constant 80 : i32
        %mul3A_148 = arith.muli %mul3A_126, %mul3A_147 : i32
        %dma_wait3A_149 = tpu.memref_slice %arg8[%mul3A_148] : memref<2000xi32, #tpu.memory_space<vmem>> -> memref<80xi32, #tpu.memory_space<vmem>>
        %dma_wait3A_150 = arith.constant 0 : i32
        %dma_wait3A_151 = arith.constant 0 : i32
        %dma_wait3A_152 = tpu.memref_slice %arg3[%dma_wait3A_150, %dma_wait3A_151] : memref<10000x128xf32, #tpu.memory_space<hbm>> -> memref<10000x128xf32, #tpu.memory_space<hbm>>
        tpu.wait_indirect_dma semaphore(%arg16 : memref<!tpu.dma_semaphore, #tpu.memory_space<semaphore_mem>>) src(%dma_wait3A_152 : memref<10000x128xf32, #tpu.memory_space<hbm>>) dst(%arg11 : memref<80x128xf32, #tpu.memory_space<vmem>>)
        %mul3A_153 = arith.constant 80 : i32
        %mul3A_154 = arith.muli %mul3A_126, %mul3A_153 : i32
        %add3A_155 = arith.constant 0 : i32
        %add3A_156 = arith.addi %mul3A_154, %add3A_155 : i32
        %get3A_157 = arith.index_cast %add3A_156 : i32 to index
        %get3A_158 = tpu.vector_load %arg8[%get3A_157] {strides = array<i32>} : memref<2000xi32, #tpu.memory_space<vmem>>, vector<16xi32>,
        %get3A_159 = vector.shape_cast %get3A_158 : vector<16xi32> to vector<16xi32>
        %swap3A_160 = arith.constant 0 : index
        %swap3A_161 = tpu.vector_load %arg9[%swap3A_160] {strides = array<i32>} : memref<80xi32, #tpu.memory_space<vmem>>, vector<16xi32>,
        %swap3A_162 = vector.shape_cast %swap3A_161 : vector<16xi32> to vector<16xi32>
        %swap3A_163 = vector.shape_cast %get3A_159 : vector<16xi32> to vector<16xi32>
        tpu.vector_store %arg9[%swap3A_160], %swap3A_163 {strides = array<i32>} : memref<80xi32, #tpu.memory_space<vmem>>, vector<16xi32>,
        %mul3A_164 = arith.constant 80 : i32
        %mul3A_165 = arith.muli %mul3A_126, %mul3A_164 : i32
        %add3A_166 = arith.constant 16 : i32
        %add3A_167 = arith.addi %mul3A_165, %add3A_166 : i32
        %get3A_168 = arith.index_cast %add3A_167 : i32 to index
        %get3A_169 = tpu.vector_load %arg8[%get3A_168] {strides = array<i32>} : memref<2000xi32, #tpu.memory_space<vmem>>, vector<16xi32>,
        %get3A_170 = vector.shape_cast %get3A_169 : vector<16xi32> to vector<16xi32>
        %swap3A_171 = arith.constant 16 : index
        %swap3A_172 = tpu.vector_load %arg9[%swap3A_171] {strides = array<i32>} : memref<80xi32, #tpu.memory_space<vmem>>, vector<16xi32>,
        %swap3A_173 = vector.shape_cast %swap3A_172 : vector<16xi32> to vector<16xi32>
        %swap3A_174 = vector.shape_cast %get3A_170 : vector<16xi32> to vector<16xi32>
        tpu.vector_store %arg9[%swap3A_171], %swap3A_174 {strides = array<i32>} : memref<80xi32, #tpu.memory_space<vmem>>, vector<16xi32>,
        %mul3A_175 = arith.constant 80 : i32
        %mul3A_176 = arith.muli %mul3A_126, %mul3A_175 : i32
        %add3A_177 = arith.constant 32 : i32
        %add3A_178 = arith.addi %mul3A_176, %add3A_177 : i32
        %get3A_179 = arith.index_cast %add3A_178 : i32 to index
        %get3A_180 = tpu.vector_load %arg8[%get3A_179] {strides = array<i32>} : memref<2000xi32, #tpu.memory_space<vmem>>, vector<16xi32>,
        %get3A_181 = vector.shape_cast %get3A_180 : vector<16xi32> to vector<16xi32>
        %swap3A_182 = arith.constant 32 : index
        %swap3A_183 = tpu.vector_load %arg9[%swap3A_182] {strides = array<i32>} : memref<80xi32, #tpu.memory_space<vmem>>, vector<16xi32>,
        %swap3A_184 = vector.shape_cast %swap3A_183 : vector<16xi32> to vector<16xi32>
        %swap3A_185 = vector.shape_cast %get3A_181 : vector<16xi32> to vector<16xi32>
        tpu.vector_store %arg9[%swap3A_182], %swap3A_185 {strides = array<i32>} : memref<80xi32, #tpu.memory_space<vmem>>, vector<16xi32>,
        %mul3A_186 = arith.constant 80 : i32
        %mul3A_187 = arith.muli %mul3A_126, %mul3A_186 : i32
        %add3A_188 = arith.constant 48 : i32
        %add3A_189 = arith.addi %mul3A_187, %add3A_188 : i32
        %get3A_190 = arith.index_cast %add3A_189 : i32 to index
        %get3A_191 = tpu.vector_load %arg8[%get3A_190] {strides = array<i32>} : memref<2000xi32, #tpu.memory_space<vmem>>, vector<16xi32>,
        %get3A_192 = vector.shape_cast %get3A_191 : vector<16xi32> to vector<16xi32>
        %swap3A_193 = arith.constant 48 : index
        %swap3A_194 = tpu.vector_load %arg9[%swap3A_193] {strides = array<i32>} : memref<80xi32, #tpu.memory_space<vmem>>, vector<16xi32>,
        %swap3A_195 = vector.shape_cast %swap3A_194 : vector<16xi32> to vector<16xi32>
        %swap3A_196 = vector.shape_cast %get3A_192 : vector<16xi32> to vector<16xi32>
        tpu.vector_store %arg9[%swap3A_193], %swap3A_196 {strides = array<i32>} : memref<80xi32, #tpu.memory_space<vmem>>, vector<16xi32>,
        %mul3A_197 = arith.constant 80 : i32
        %mul3A_198 = arith.muli %mul3A_126, %mul3A_197 : i32
        %add3A_199 = arith.constant 64 : i32
        %add3A_200 = arith.addi %mul3A_198, %add3A_199 : i32
        %get3A_201 = arith.index_cast %add3A_200 : i32 to index
        %get3A_202 = tpu.vector_load %arg8[%get3A_201] {strides = array<i32>} : memref<2000xi32, #tpu.memory_space<vmem>>, vector<16xi32>,
        %get3A_203 = vector.shape_cast %get3A_202 : vector<16xi32> to vector<16xi32>
        %swap3A_204 = arith.constant 64 : index
        %swap3A_205 = tpu.vector_load %arg9[%swap3A_204] {strides = array<i32>} : memref<80xi32, #tpu.memory_space<vmem>>, vector<16xi32>,
        %swap3A_206 = vector.shape_cast %swap3A_205 : vector<16xi32> to vector<16xi32>
        %swap3A_207 = vector.shape_cast %get3A_203 : vector<16xi32> to vector<16xi32>
        tpu.vector_store %arg9[%swap3A_204], %swap3A_207 {strides = array<i32>} : memref<80xi32, #tpu.memory_space<vmem>>, vector<16xi32>,
        %scan3A_208 = arith.constant 0 : i32
        %scan3A_209 = arith.constant 0 : i32
        %scan3A_210 = arith.constant 80 : i32
        %scan3A_211 = arith.addi %scan3A_209, %scan3A_210 : i32
        %scan3A_212 = arith.constant 1 : i32
        %scan3A_213 = scf.for %scan3A_304 = %scan3A_209 to %scan3A_211 step %scan3A_212 iter_args(%scan3A_305 = %scan3A_208) -> (i32)  : i32 {
          %get3A_306 = arith.index_cast %scan3A_304 : i32 to index
          %get3A_307 = arith.constant 0 : index
          %get3A_308 = tpu.vector_load %arg10[%get3A_306, %get3A_307] {strides = array<i32>} : memref<80x128xf32, #tpu.memory_space<vmem>>, vector<1x16xf32>,
          %get3A_309 = vector.shape_cast %get3A_308 : vector<1x16xf32> to vector<16xf32>
          %get3A_310 = arith.index_cast %scan3A_304 : i32 to index
          %get3A_311 = arith.constant 0 : index
          %get3A_312 = tpu.vector_load %arg11[%get3A_310, %get3A_311] {strides = array<i32>} : memref<80x128xf32, #tpu.memory_space<vmem>>, vector<1x16xf32>,
          %get3A_313 = vector.shape_cast %get3A_312 : vector<1x16xf32> to vector<16xf32>
          %add3A_314 = arith.addf %get3A_309, %get3A_313 : vector<16xf32>
          %max3A = arith.constant 0.000000e+00 : f32
          %max3A_315 = vector.broadcast %max3A : f32 to vector<16xf32>
          %max3A_316 = arith.maximumf %add3A_314, %max3A_315 : vector<16xf32>
          %swap3A_317 = arith.index_cast %scan3A_304 : i32 to index
          %swap3A_318 = arith.constant 0 : index
          %swap3A_319 = tpu.vector_load %arg10[%swap3A_317, %swap3A_318] {strides = array<i32>} : memref<80x128xf32, #tpu.memory_space<vmem>>, vector<1x16xf32>,
          %swap3A_320 = vector.shape_cast %swap3A_319 : vector<1x16xf32> to vector<16xf32>
          %swap3A_321 = vector.shape_cast %max3A_316 : vector<16xf32> to vector<1x16xf32>
          tpu.vector_store %arg10[%swap3A_317, %swap3A_318], %swap3A_321 {strides = array<i32>} : memref<80x128xf32, #tpu.memory_space<vmem>>, vector<1x16xf32>,
          %get3A_322 = arith.index_cast %scan3A_304 : i32 to index
          %get3A_323 = arith.constant 16 : index
          %get3A_324 = tpu.vector_load %arg10[%get3A_322, %get3A_323] {strides = array<i32>} : memref<80x128xf32, #tpu.memory_space<vmem>>, vector<1x16xf32>,
          %get3A_325 = vector.shape_cast %get3A_324 : vector<1x16xf32> to vector<16xf32>
          %get3A_326 = arith.index_cast %scan3A_304 : i32 to index
          %get3A_327 = arith.constant 16 : index
          %get3A_328 = tpu.vector_load %arg11[%get3A_326, %get3A_327] {strides = array<i32>} : memref<80x128xf32, #tpu.memory_space<vmem>>, vector<1x16xf32>,
          %get3A_329 = vector.shape_cast %get3A_328 : vector<1x16xf32> to vector<16xf32>
          %add3A_330 = arith.addf %get3A_325, %get3A_329 : vector<16xf32>
          %max3A_331 = arith.constant 0.000000e+00 : f32
          %max3A_332 = vector.broadcast %max3A_331 : f32 to vector<16xf32>
          %max3A_333 = arith.maximumf %add3A_330, %max3A_332 : vector<16xf32>
          %swap3A_334 = arith.index_cast %scan3A_304 : i32 to index
          %swap3A_335 = arith.constant 16 : index
          %swap3A_336 = tpu.vector_load %arg10[%swap3A_334, %swap3A_335] {strides = array<i32>} : memref<80x128xf32, #tpu.memory_space<vmem>>, vector<1x16xf32>,
          %swap3A_337 = vector.shape_cast %swap3A_336 : vector<1x16xf32> to vector<16xf32>
          %swap3A_338 = vector.shape_cast %max3A_333 : vector<16xf32> to vector<1x16xf32>
          tpu.vector_store %arg10[%swap3A_334, %swap3A_335], %swap3A_338 {strides = array<i32>} : memref<80x128xf32, #tpu.memory_space<vmem>>, vector<1x16xf32>,
          %get3A_339 = arith.index_cast %scan3A_304 : i32 to index
          %get3A_340 = arith.constant 32 : index
          %get3A_341 = tpu.vector_load %arg10[%get3A_339, %get3A_340] {strides = array<i32>} : memref<80x128xf32, #tpu.memory_space<vmem>>, vector<1x16xf32>,
          %get3A_342 = vector.shape_cast %get3A_341 : vector<1x16xf32> to vector<16xf32>
          %get3A_343 = arith.index_cast %scan3A_304 : i32 to index
          %get3A_344 = arith.constant 32 : index
          %get3A_345 = tpu.vector_load %arg11[%get3A_343, %get3A_344] {strides = array<i32>} : memref<80x128xf32, #tpu.memory_space<vmem>>, vector<1x16xf32>,
          %get3A_346 = vector.shape_cast %get3A_345 : vector<1x16xf32> to vector<16xf32>
          %add3A_347 = arith.addf %get3A_342, %get3A_346 : vector<16xf32>
          %max3A_348 = arith.constant 0.000000e+00 : f32
          %max3A_349 = vector.broadcast %max3A_348 : f32 to vector<16xf32>
          %max3A_350 = arith.maximumf %add3A_347, %max3A_349 : vector<16xf32>
          %swap3A_351 = arith.index_cast %scan3A_304 : i32 to index
          %swap3A_352 = arith.constant 32 : index
          %swap3A_353 = tpu.vector_load %arg10[%swap3A_351, %swap3A_352] {strides = array<i32>} : memref<80x128xf32, #tpu.memory_space<vmem>>, vector<1x16xf32>,
          %swap3A_354 = vector.shape_cast %swap3A_353 : vector<1x16xf32> to vector<16xf32>
          %swap3A_355 = vector.shape_cast %max3A_350 : vector<16xf32> to vector<1x16xf32>
          tpu.vector_store %arg10[%swap3A_351, %swap3A_352], %swap3A_355 {strides = array<i32>} : memref<80x128xf32, #tpu.memory_space<vmem>>, vector<1x16xf32>,
          %get3A_356 = arith.index_cast %scan3A_304 : i32 to index
          %get3A_357 = arith.constant 48 : index
          %get3A_358 = tpu.vector_load %arg10[%get3A_356, %get3A_357] {strides = array<i32>} : memref<80x128xf32, #tpu.memory_space<vmem>>, vector<1x16xf32>,
          %get3A_359 = vector.shape_cast %get3A_358 : vector<1x16xf32> to vector<16xf32>
          %get3A_360 = arith.index_cast %scan3A_304 : i32 to index
          %get3A_361 = arith.constant 48 : index
          %get3A_362 = tpu.vector_load %arg11[%get3A_360, %get3A_361] {strides = array<i32>} : memref<80x128xf32, #tpu.memory_space<vmem>>, vector<1x16xf32>,
          %get3A_363 = vector.shape_cast %get3A_362 : vector<1x16xf32> to vector<16xf32>
          %add3A_364 = arith.addf %get3A_359, %get3A_363 : vector<16xf32>
          %max3A_365 = arith.constant 0.000000e+00 : f32
          %max3A_366 = vector.broadcast %max3A_365 : f32 to vector<16xf32>
          %max3A_367 = arith.maximumf %add3A_364, %max3A_366 : vector<16xf32>
          %swap3A_368 = arith.index_cast %scan3A_304 : i32 to index
          %swap3A_369 = arith.constant 48 : index
          %swap3A_370 = tpu.vector_load %arg10[%swap3A_368, %swap3A_369] {strides = array<i32>} : memref<80x128xf32, #tpu.memory_space<vmem>>, vector<1x16xf32>,
          %swap3A_371 = vector.shape_cast %swap3A_370 : vector<1x16xf32> to vector<16xf32>
          %swap3A_372 = vector.shape_cast %max3A_367 : vector<16xf32> to vector<1x16xf32>
          tpu.vector_store %arg10[%swap3A_368, %swap3A_369], %swap3A_372 {strides = array<i32>} : memref<80x128xf32, #tpu.memory_space<vmem>>, vector<1x16xf32>,
          %get3A_373 = arith.index_cast %scan3A_304 : i32 to index
          %get3A_374 = arith.constant 64 : index
          %get3A_375 = tpu.vector_load %arg10[%get3A_373, %get3A_374] {strides = array<i32>} : memref<80x128xf32, #tpu.memory_space<vmem>>, vector<1x16xf32>,
          %get3A_376 = vector.shape_cast %get3A_375 : vector<1x16xf32> to vector<16xf32>
          %get3A_377 = arith.index_cast %scan3A_304 : i32 to index
          %get3A_378 = arith.constant 64 : index
          %get3A_379 = tpu.vector_load %arg11[%get3A_377, %get3A_378] {strides = array<i32>} : memref<80x128xf32, #tpu.memory_space<vmem>>, vector<1x16xf32>,
          %get3A_380 = vector.shape_cast %get3A_379 : vector<1x16xf32> to vector<16xf32>
          %add3A_381 = arith.addf %get3A_376, %get3A_380 : vector<16xf32>
          %max3A_382 = arith.constant 0.000000e+00 : f32
          %max3A_383 = vector.broadcast %max3A_382 : f32 to vector<16xf32>
          %max3A_384 = arith.maximumf %add3A_381, %max3A_383 : vector<16xf32>
          %swap3A_385 = arith.index_cast %scan3A_304 : i32 to index
          %swap3A_386 = arith.constant 64 : index
          %swap3A_387 = tpu.vector_load %arg10[%swap3A_385, %swap3A_386] {strides = array<i32>} : memref<80x128xf32, #tpu.memory_space<vmem>>, vector<1x16xf32>,
          %swap3A_388 = vector.shape_cast %swap3A_387 : vector<1x16xf32> to vector<16xf32>
          %swap3A_389 = vector.shape_cast %max3A_384 : vector<16xf32> to vector<1x16xf32>
          tpu.vector_store %arg10[%swap3A_385, %swap3A_386], %swap3A_389 {strides = array<i32>} : memref<80x128xf32, #tpu.memory_space<vmem>>, vector<1x16xf32>,
          %get3A_390 = arith.index_cast %scan3A_304 : i32 to index
          %get3A_391 = arith.constant 80 : index
          %get3A_392 = tpu.vector_load %arg10[%get3A_390, %get3A_391] {strides = array<i32>} : memref<80x128xf32, #tpu.memory_space<vmem>>, vector<1x16xf32>,
          %get3A_393 = vector.shape_cast %get3A_392 : vector<1x16xf32> to vector<16xf32>
          %get3A_394 = arith.index_cast %scan3A_304 : i32 to index
          %get3A_395 = arith.constant 80 : index
          %get3A_396 = tpu.vector_load %arg11[%get3A_394, %get3A_395] {strides = array<i32>} : memref<80x128xf32, #tpu.memory_space<vmem>>, vector<1x16xf32>,
          %get3A_397 = vector.shape_cast %get3A_396 : vector<1x16xf32> to vector<16xf32>
          %add3A_398 = arith.addf %get3A_393, %get3A_397 : vector<16xf32>
          %max3A_399 = arith.constant 0.000000e+00 : f32
          %max3A_400 = vector.broadcast %max3A_399 : f32 to vector<16xf32>
          %max3A_401 = arith.maximumf %add3A_398, %max3A_400 : vector<16xf32>
          %swap3A_402 = arith.index_cast %scan3A_304 : i32 to index
          %swap3A_403 = arith.constant 80 : index
          %swap3A_404 = tpu.vector_load %arg10[%swap3A_402, %swap3A_403] {strides = array<i32>} : memref<80x128xf32, #tpu.memory_space<vmem>>, vector<1x16xf32>,
          %swap3A_405 = vector.shape_cast %swap3A_404 : vector<1x16xf32> to vector<16xf32>
          %swap3A_406 = vector.shape_cast %max3A_401 : vector<16xf32> to vector<1x16xf32>
          tpu.vector_store %arg10[%swap3A_402, %swap3A_403], %swap3A_406 {strides = array<i32>} : memref<80x128xf32, #tpu.memory_space<vmem>>, vector<1x16xf32>,
          %get3A_407 = arith.index_cast %scan3A_304 : i32 to index
          %get3A_408 = arith.constant 96 : index
          %get3A_409 = tpu.vector_load %arg10[%get3A_407, %get3A_408] {strides = array<i32>} : memref<80x128xf32, #tpu.memory_space<vmem>>, vector<1x16xf32>,
          %get3A_410 = vector.shape_cast %get3A_409 : vector<1x16xf32> to vector<16xf32>
          %get3A_411 = arith.index_cast %scan3A_304 : i32 to index
          %get3A_412 = arith.constant 96 : index
          %get3A_413 = tpu.vector_load %arg11[%get3A_411, %get3A_412] {strides = array<i32>} : memref<80x128xf32, #tpu.memory_space<vmem>>, vector<1x16xf32>,
          %get3A_414 = vector.shape_cast %get3A_413 : vector<1x16xf32> to vector<16xf32>
          %add3A_415 = arith.addf %get3A_410, %get3A_414 : vector<16xf32>
          %max3A_416 = arith.constant 0.000000e+00 : f32
          %max3A_417 = vector.broadcast %max3A_416 : f32 to vector<16xf32>
          %max3A_418 = arith.maximumf %add3A_415, %max3A_417 : vector<16xf32>
          %swap3A_419 = arith.index_cast %scan3A_304 : i32 to index
          %swap3A_420 = arith.constant 96 : index
          %swap3A_421 = tpu.vector_load %arg10[%swap3A_419, %swap3A_420] {strides = array<i32>} : memref<80x128xf32, #tpu.memory_space<vmem>>, vector<1x16xf32>,
          %swap3A_422 = vector.shape_cast %swap3A_421 : vector<1x16xf32> to vector<16xf32>
          %swap3A_423 = vector.shape_cast %max3A_418 : vector<16xf32> to vector<1x16xf32>
          tpu.vector_store %arg10[%swap3A_419, %swap3A_420], %swap3A_423 {strides = array<i32>} : memref<80x128xf32, #tpu.memory_space<vmem>>, vector<1x16xf32>,
          %get3A_424 = arith.index_cast %scan3A_304 : i32 to index
          %get3A_425 = arith.constant 112 : index
          %get3A_426 = tpu.vector_load %arg10[%get3A_424, %get3A_425] {strides = array<i32>} : memref<80x128xf32, #tpu.memory_space<vmem>>, vector<1x16xf32>,
          %get3A_427 = vector.shape_cast %get3A_426 : vector<1x16xf32> to vector<16xf32>
          %get3A_428 = arith.index_cast %scan3A_304 : i32 to index
          %get3A_429 = arith.constant 112 : index
          %get3A_430 = tpu.vector_load %arg11[%get3A_428, %get3A_429] {strides = array<i32>} : memref<80x128xf32, #tpu.memory_space<vmem>>, vector<1x16xf32>,
          %get3A_431 = vector.shape_cast %get3A_430 : vector<1x16xf32> to vector<16xf32>
          %add3A_432 = arith.addf %get3A_427, %get3A_431 : vector<16xf32>
          %max3A_433 = arith.constant 0.000000e+00 : f32
          %max3A_434 = vector.broadcast %max3A_433 : f32 to vector<16xf32>
          %max3A_435 = arith.maximumf %add3A_432, %max3A_434 : vector<16xf32>
          %swap3A_436 = arith.index_cast %scan3A_304 : i32 to index
          %swap3A_437 = arith.constant 112 : index
          %swap3A_438 = tpu.vector_load %arg10[%swap3A_436, %swap3A_437] {strides = array<i32>} : memref<80x128xf32, #tpu.memory_space<vmem>>, vector<1x16xf32>,
          %swap3A_439 = vector.shape_cast %swap3A_438 : vector<1x16xf32> to vector<16xf32>
          %swap3A_440 = vector.shape_cast %max3A_435 : vector<16xf32> to vector<1x16xf32>
          tpu.vector_store %arg10[%swap3A_436, %swap3A_437], %swap3A_440 {strides = array<i32>} : memref<80x128xf32, #tpu.memory_space<vmem>>, vector<1x16xf32>,
          %scan3A_441 = arith.constant 0 : i32
          scf.yield %scan3A_441 : i32
        }
        %scan3A_214 = arith.constant 80 : i32
        "tpu.region"() ({
          %run_scoped3A = tpu.sem_alloc : memref<!tpu.dma_semaphore, #tpu.memory_space<semaphore_mem>>
          %dma_start3A_304 = arith.constant 0 : i32
          %dma_start3A_305 = arith.constant 0 : i32
          %dma_start3A_306 = tpu.memref_slice %arg14[%dma_start3A_304, %dma_start3A_305] : memref<10240x128xf32, #tpu.memory_space<vmem_shared>> -> memref<10240x128xf32, #tpu.memory_space<vmem_shared>>
          tpu.enqueue_indirect_dma source(%arg10 : memref<80x128xf32, #tpu.memory_space<vmem>>) target(%dma_start3A_306 : memref<10240x128xf32, #tpu.memory_space<vmem_shared>>) offsets(%arg9 : memref<80xi32, #tpu.memory_space<vmem>>) semaphore(%run_scoped3A : memref<!tpu.dma_semaphore, #tpu.memory_space<semaphore_mem>>) {add = true}
          %dma_wait3A_307 = arith.constant 0 : i32
          %dma_wait3A_308 = arith.constant 0 : i32
          %dma_wait3A_309 = tpu.memref_slice %arg14[%dma_wait3A_307, %dma_wait3A_308] : memref<10240x128xf32, #tpu.memory_space<vmem_shared>> -> memref<10240x128xf32, #tpu.memory_space<vmem_shared>>
          tpu.wait_indirect_dma semaphore(%run_scoped3A : memref<!tpu.dma_semaphore, #tpu.memory_space<semaphore_mem>>) src(%arg10 : memref<80x128xf32, #tpu.memory_space<vmem>>) dst(%dma_wait3A_309 : memref<10240x128xf32, #tpu.memory_space<vmem_shared>>)
          tpu.yield
        }) : () -> ()
        %add3A_215 = arith.constant 2 : i32
        %add3A_216 = arith.addi %mul3A_126, %add3A_215 : i32
        %mul3A_217 = arith.constant 80 : i32
        %mul3A_218 = arith.muli %add3A_216, %mul3A_217 : i32
        %dma_start3A_219 = tpu.memref_slice %arg7[%mul3A_218] : memref<2000xi32, #tpu.memory_space<vmem>> -> memref<80xi32, #tpu.memory_space<vmem>>
        %dma_start3A_220 = arith.constant 0 : i32
        %dma_start3A_221 = arith.constant 0 : i32
        %dma_start3A_222 = tpu.memref_slice %arg2[%dma_start3A_220, %dma_start3A_221] : memref<10000x128xf32, #tpu.memory_space<hbm>> -> memref<10000x128xf32, #tpu.memory_space<hbm>>
        tpu.enqueue_indirect_dma source(%dma_start3A_222 : memref<10000x128xf32, #tpu.memory_space<hbm>>) target(%arg10 : memref<80x128xf32, #tpu.memory_space<vmem>>) offsets(%dma_start3A_219 : memref<80xi32, #tpu.memory_space<vmem>>) semaphore(%arg15 : memref<!tpu.dma_semaphore, #tpu.memory_space<semaphore_mem>>)
        %mul3A_223 = arith.constant 80 : i32
        %mul3A_224 = arith.muli %add3A_216, %mul3A_223 : i32
        %dma_start3A_225 = tpu.memref_slice %arg8[%mul3A_224] : memref<2000xi32, #tpu.memory_space<vmem>> -> memref<80xi32, #tpu.memory_space<vmem>>
        %dma_start3A_226 = arith.constant 0 : i32
        %dma_start3A_227 = arith.constant 0 : i32
        %dma_start3A_228 = tpu.memref_slice %arg3[%dma_start3A_226, %dma_start3A_227] : memref<10000x128xf32, #tpu.memory_space<hbm>> -> memref<10000x128xf32, #tpu.memory_space<hbm>>
        tpu.enqueue_indirect_dma source(%dma_start3A_228 : memref<10000x128xf32, #tpu.memory_space<hbm>>) target(%arg11 : memref<80x128xf32, #tpu.memory_space<vmem>>) offsets(%dma_start3A_225 : memref<80xi32, #tpu.memory_space<vmem>>) semaphore(%arg16 : memref<!tpu.dma_semaphore, #tpu.memory_space<semaphore_mem>>)
        %mul3A_229 = arith.constant 80 : i32
        %mul3A_230 = arith.muli %add3A_128, %mul3A_229 : i32
        %dma_wait3A_231 = tpu.memref_slice %arg7[%mul3A_230] : memref<2000xi32, #tpu.memory_space<vmem>> -> memref<80xi32, #tpu.memory_space<vmem>>
        %dma_wait3A_232 = arith.constant 0 : i32
        %dma_wait3A_233 = arith.constant 0 : i32
        %dma_wait3A_234 = tpu.memref_slice %arg2[%dma_wait3A_232, %dma_wait3A_233] : memref<10000x128xf32, #tpu.memory_space<hbm>> -> memref<10000x128xf32, #tpu.memory_space<hbm>>
        tpu.wait_indirect_dma semaphore(%arg17 : memref<!tpu.dma_semaphore, #tpu.memory_space<semaphore_mem>>) src(%dma_wait3A_234 : memref<10000x128xf32, #tpu.memory_space<hbm>>) dst(%arg12 : memref<80x128xf32, #tpu.memory_space<vmem>>)
        %mul3A_235 = arith.constant 80 : i32
        %mul3A_236 = arith.muli %add3A_128, %mul3A_235 : i32
        %dma_wait3A_237 = tpu.memref_slice %arg8[%mul3A_236] : memref<2000xi32, #tpu.memory_space<vmem>> -> memref<80xi32, #tpu.memory_space<vmem>>
        %dma_wait3A_238 = arith.constant 0 : i32
        %dma_wait3A_239 = arith.constant 0 : i32
        %dma_wait3A_240 = tpu.memref_slice %arg3[%dma_wait3A_238, %dma_wait3A_239] : memref<10000x128xf32, #tpu.memory_space<hbm>> -> memref<10000x128xf32, #tpu.memory_space<hbm>>
        tpu.wait_indirect_dma semaphore(%arg18 : memref<!tpu.dma_semaphore, #tpu.memory_space<semaphore_mem>>) src(%dma_wait3A_240 : memref<10000x128xf32, #tpu.memory_space<hbm>>) dst(%arg13 : memref<80x128xf32, #tpu.memory_space<vmem>>)
        %mul3A_241 = arith.constant 80 : i32
        %mul3A_242 = arith.muli %add3A_128, %mul3A_241 : i32
        %add3A_243 = arith.constant 0 : i32
        %add3A_244 = arith.addi %mul3A_242, %add3A_243 : i32
        %get3A_245 = arith.index_cast %add3A_244 : i32 to index
        %get3A_246 = tpu.vector_load %arg8[%get3A_245] {strides = array<i32>} : memref<2000xi32, #tpu.memory_space<vmem>>, vector<16xi32>,
        %get3A_247 = vector.shape_cast %get3A_246 : vector<16xi32> to vector<16xi32>
        %swap3A_248 = arith.constant 0 : index
        %swap3A_249 = tpu.vector_load %arg9[%swap3A_248] {strides = array<i32>} : memref<80xi32, #tpu.memory_space<vmem>>, vector<16xi32>,
        %swap3A_250 = vector.shape_cast %swap3A_249 : vector<16xi32> to vector<16xi32>
        %swap3A_251 = vector.shape_cast %get3A_247 : vector<16xi32> to vector<16xi32>
        tpu.vector_store %arg9[%swap3A_248], %swap3A_251 {strides = array<i32>} : memref<80xi32, #tpu.memory_space<vmem>>, vector<16xi32>,
        %mul3A_252 = arith.constant 80 : i32
        %mul3A_253 = arith.muli %add3A_128, %mul3A_252 : i32
        %add3A_254 = arith.constant 16 : i32
        %add3A_255 = arith.addi %mul3A_253, %add3A_254 : i32
        %get3A_256 = arith.index_cast %add3A_255 : i32 to index
        %get3A_257 = tpu.vector_load %arg8[%get3A_256] {strides = array<i32>} : memref<2000xi32, #tpu.memory_space<vmem>>, vector<16xi32>,
        %get3A_258 = vector.shape_cast %get3A_257 : vector<16xi32> to vector<16xi32>
        %swap3A_259 = arith.constant 16 : index
        %swap3A_260 = tpu.vector_load %arg9[%swap3A_259] {strides = array<i32>} : memref<80xi32, #tpu.memory_space<vmem>>, vector<16xi32>,
        %swap3A_261 = vector.shape_cast %swap3A_260 : vector<16xi32> to vector<16xi32>
        %swap3A_262 = vector.shape_cast %get3A_258 : vector<16xi32> to vector<16xi32>
        tpu.vector_store %arg9[%swap3A_259], %swap3A_262 {strides = array<i32>} : memref<80xi32, #tpu.memory_space<vmem>>, vector<16xi32>,
        %mul3A_263 = arith.constant 80 : i32
        %mul3A_264 = arith.muli %add3A_128, %mul3A_263 : i32
        %add3A_265 = arith.constant 32 : i32
        %add3A_266 = arith.addi %mul3A_264, %add3A_265 : i32
        %get3A_267 = arith.index_cast %add3A_266 : i32 to index
        %get3A_268 = tpu.vector_load %arg8[%get3A_267] {strides = array<i32>} : memref<2000xi32, #tpu.memory_space<vmem>>, vector<16xi32>,
        %get3A_269 = vector.shape_cast %get3A_268 : vector<16xi32> to vector<16xi32>
        %swap3A_270 = arith.constant 32 : index
        %swap3A_271 = tpu.vector_load %arg9[%swap3A_270] {strides = array<i32>} : memref<80xi32, #tpu.memory_space<vmem>>, vector<16xi32>,
        %swap3A_272 = vector.shape_cast %swap3A_271 : vector<16xi32> to vector<16xi32>
        %swap3A_273 = vector.shape_cast %get3A_269 : vector<16xi32> to vector<16xi32>
        tpu.vector_store %arg9[%swap3A_270], %swap3A_273 {strides = array<i32>} : memref<80xi32, #tpu.memory_space<vmem>>, vector<16xi32>,
        %mul3A_274 = arith.constant 80 : i32
        %mul3A_275 = arith.muli %add3A_128, %mul3A_274 : i32
        %add3A_276 = arith.constant 48 : i32
        %add3A_277 = arith.addi %mul3A_275, %add3A_276 : i32
        %get3A_278 = arith.index_cast %add3A_277 : i32 to index
        %get3A_279 = tpu.vector_load %arg8[%get3A_278] {strides = array<i32>} : memref<2000xi32, #tpu.memory_space<vmem>>, vector<16xi32>,
        %get3A_280 = vector.shape_cast %get3A_279 : vector<16xi32> to vector<16xi32>
        %swap3A_281 = arith.constant 48 : index
        %swap3A_282 = tpu.vector_load %arg9[%swap3A_281] {strides = array<i32>} : memref<80xi32, #tpu.memory_space<vmem>>, vector<16xi32>,
        %swap3A_283 = vector.shape_cast %swap3A_282 : vector<16xi32> to vector<16xi32>
        %swap3A_284 = vector.shape_cast %get3A_280 : vector<16xi32> to vector<16xi32>
        tpu.vector_store %arg9[%swap3A_281], %swap3A_284 {strides = array<i32>} : memref<80xi32, #tpu.memory_space<vmem>>, vector<16xi32>,
        %mul3A_285 = arith.constant 80 : i32
        %mul3A_286 = arith.muli %add3A_128, %mul3A_285 : i32
        %add3A_287 = arith.constant 64 : i32
        %add3A_288 = arith.addi %mul3A_286, %add3A_287 : i32
        %get3A_289 = arith.index_cast %add3A_288 : i32 to index
        %get3A_290 = tpu.vector_load %arg8[%get3A_289] {strides = array<i32>} : memref<2000xi32, #tpu.memory_space<vmem>>, vector<16xi32>,
        %get3A_291 = vector.shape_cast %get3A_290 : vector<16xi32> to vector<16xi32>
        %swap3A_292 = arith.constant 64 : index
        %swap3A_293 = tpu.vector_load %arg9[%swap3A_292] {strides = array<i32>} : memref<80xi32, #tpu.memory_space<vmem>>, vector<16xi32>,
        %swap3A_294 = vector.shape_cast %swap3A_293 : vector<16xi32> to vector<16xi32>
        %swap3A_295 = vector.shape_cast %get3A_291 : vector<16xi32> to vector<16xi32>
        tpu.vector_store %arg9[%swap3A_292], %swap3A_295 {strides = array<i32>} : memref<80xi32, #tpu.memory_space<vmem>>, vector<16xi32>,
        %scan3A_296 = arith.constant 0 : i32
        %scan3A_297 = arith.constant 0 : i32
        %scan3A_298 = arith.constant 80 : i32
        %scan3A_299 = arith.addi %scan3A_297, %scan3A_298 : i32
        %scan3A_300 = arith.constant 1 : i32
        %scan3A_301 = scf.for %scan3A_304 = %scan3A_297 to %scan3A_299 step %scan3A_300 iter_args(%scan3A_305 = %scan3A_296) -> (i32)  : i32 {
          %get3A_306 = arith.index_cast %scan3A_304 : i32 to index
          %get3A_307 = arith.constant 0 : index
          %get3A_308 = tpu.vector_load %arg12[%get3A_306, %get3A_307] {strides = array<i32>} : memref<80x128xf32, #tpu.memory_space<vmem>>, vector<1x16xf32>,
          %get3A_309 = vector.shape_cast %get3A_308 : vector<1x16xf32> to vector<16xf32>
          %get3A_310 = arith.index_cast %scan3A_304 : i32 to index
          %get3A_311 = arith.constant 0 : index
          %get3A_312 = tpu.vector_load %arg13[%get3A_310, %get3A_311] {strides = array<i32>} : memref<80x128xf32, #tpu.memory_space<vmem>>, vector<1x16xf32>,
          %get3A_313 = vector.shape_cast %get3A_312 : vector<1x16xf32> to vector<16xf32>
          %add3A_314 = arith.addf %get3A_309, %get3A_313 : vector<16xf32>
          %max3A = arith.constant 0.000000e+00 : f32
          %max3A_315 = vector.broadcast %max3A : f32 to vector<16xf32>
          %max3A_316 = arith.maximumf %add3A_314, %max3A_315 : vector<16xf32>
          %swap3A_317 = arith.index_cast %scan3A_304 : i32 to index
          %swap3A_318 = arith.constant 0 : index
          %swap3A_319 = tpu.vector_load %arg12[%swap3A_317, %swap3A_318] {strides = array<i32>} : memref<80x128xf32, #tpu.memory_space<vmem>>, vector<1x16xf32>,
          %swap3A_320 = vector.shape_cast %swap3A_319 : vector<1x16xf32> to vector<16xf32>
          %swap3A_321 = vector.shape_cast %max3A_316 : vector<16xf32> to vector<1x16xf32>
          tpu.vector_store %arg12[%swap3A_317, %swap3A_318], %swap3A_321 {strides = array<i32>} : memref<80x128xf32, #tpu.memory_space<vmem>>, vector<1x16xf32>,
          %get3A_322 = arith.index_cast %scan3A_304 : i32 to index
          %get3A_323 = arith.constant 16 : index
          %get3A_324 = tpu.vector_load %arg12[%get3A_322, %get3A_323] {strides = array<i32>} : memref<80x128xf32, #tpu.memory_space<vmem>>, vector<1x16xf32>,
          %get3A_325 = vector.shape_cast %get3A_324 : vector<1x16xf32> to vector<16xf32>
          %get3A_326 = arith.index_cast %scan3A_304 : i32 to index
          %get3A_327 = arith.constant 16 : index
          %get3A_328 = tpu.vector_load %arg13[%get3A_326, %get3A_327] {strides = array<i32>} : memref<80x128xf32, #tpu.memory_space<vmem>>, vector<1x16xf32>,
          %get3A_329 = vector.shape_cast %get3A_328 : vector<1x16xf32> to vector<16xf32>
          %add3A_330 = arith.addf %get3A_325, %get3A_329 : vector<16xf32>
          %max3A_331 = arith.constant 0.000000e+00 : f32
          %max3A_332 = vector.broadcast %max3A_331 : f32 to vector<16xf32>
          %max3A_333 = arith.maximumf %add3A_330, %max3A_332 : vector<16xf32>
          %swap3A_334 = arith.index_cast %scan3A_304 : i32 to index
          %swap3A_335 = arith.constant 16 : index
          %swap3A_336 = tpu.vector_load %arg12[%swap3A_334, %swap3A_335] {strides = array<i32>} : memref<80x128xf32, #tpu.memory_space<vmem>>, vector<1x16xf32>,
          %swap3A_337 = vector.shape_cast %swap3A_336 : vector<1x16xf32> to vector<16xf32>
          %swap3A_338 = vector.shape_cast %max3A_333 : vector<16xf32> to vector<1x16xf32>
          tpu.vector_store %arg12[%swap3A_334, %swap3A_335], %swap3A_338 {strides = array<i32>} : memref<80x128xf32, #tpu.memory_space<vmem>>, vector<1x16xf32>,
          %get3A_339 = arith.index_cast %scan3A_304 : i32 to index
          %get3A_340 = arith.constant 32 : index
          %get3A_341 = tpu.vector_load %arg12[%get3A_339, %get3A_340] {strides = array<i32>} : memref<80x128xf32, #tpu.memory_space<vmem>>, vector<1x16xf32>,
          %get3A_342 = vector.shape_cast %get3A_341 : vector<1x16xf32> to vector<16xf32>
          %get3A_343 = arith.index_cast %scan3A_304 : i32 to index
          %get3A_344 = arith.constant 32 : index
          %get3A_345 = tpu.vector_load %arg13[%get3A_343, %get3A_344] {strides = array<i32>} : memref<80x128xf32, #tpu.memory_space<vmem>>, vector<1x16xf32>,
          %get3A_346 = vector.shape_cast %get3A_345 : vector<1x16xf32> to vector<16xf32>
          %add3A_347 = arith.addf %get3A_342, %get3A_346 : vector<16xf32>
          %max3A_348 = arith.constant 0.000000e+00 : f32
          %max3A_349 = vector.broadcast %max3A_348 : f32 to vector<16xf32>
          %max3A_350 = arith.maximumf %add3A_347, %max3A_349 : vector<16xf32>
          %swap3A_351 = arith.index_cast %scan3A_304 : i32 to index
          %swap3A_352 = arith.constant 32 : index
          %swap3A_353 = tpu.vector_load %arg12[%swap3A_351, %swap3A_352] {strides = array<i32>} : memref<80x128xf32, #tpu.memory_space<vmem>>, vector<1x16xf32>,
          %swap3A_354 = vector.shape_cast %swap3A_353 : vector<1x16xf32> to vector<16xf32>
          %swap3A_355 = vector.shape_cast %max3A_350 : vector<16xf32> to vector<1x16xf32>
          tpu.vector_store %arg12[%swap3A_351, %swap3A_352], %swap3A_355 {strides = array<i32>} : memref<80x128xf32, #tpu.memory_space<vmem>>, vector<1x16xf32>,
          %get3A_356 = arith.index_cast %scan3A_304 : i32 to index
          %get3A_357 = arith.constant 48 : index
          %get3A_358 = tpu.vector_load %arg12[%get3A_356, %get3A_357] {strides = array<i32>} : memref<80x128xf32, #tpu.memory_space<vmem>>, vector<1x16xf32>,
          %get3A_359 = vector.shape_cast %get3A_358 : vector<1x16xf32> to vector<16xf32>
          %get3A_360 = arith.index_cast %scan3A_304 : i32 to index
          %get3A_361 = arith.constant 48 : index
          %get3A_362 = tpu.vector_load %arg13[%get3A_360, %get3A_361] {strides = array<i32>} : memref<80x128xf32, #tpu.memory_space<vmem>>, vector<1x16xf32>,
          %get3A_363 = vector.shape_cast %get3A_362 : vector<1x16xf32> to vector<16xf32>
          %add3A_364 = arith.addf %get3A_359, %get3A_363 : vector<16xf32>
          %max3A_365 = arith.constant 0.000000e+00 : f32
          %max3A_366 = vector.broadcast %max3A_365 : f32 to vector<16xf32>
          %max3A_367 = arith.maximumf %add3A_364, %max3A_366 : vector<16xf32>
          %swap3A_368 = arith.index_cast %scan3A_304 : i32 to index
          %swap3A_369 = arith.constant 48 : index
          %swap3A_370 = tpu.vector_load %arg12[%swap3A_368, %swap3A_369] {strides = array<i32>} : memref<80x128xf32, #tpu.memory_space<vmem>>, vector<1x16xf32>,
          %swap3A_371 = vector.shape_cast %swap3A_370 : vector<1x16xf32> to vector<16xf32>
          %swap3A_372 = vector.shape_cast %max3A_367 : vector<16xf32> to vector<1x16xf32>
          tpu.vector_store %arg12[%swap3A_368, %swap3A_369], %swap3A_372 {strides = array<i32>} : memref<80x128xf32, #tpu.memory_space<vmem>>, vector<1x16xf32>,
          %get3A_373 = arith.index_cast %scan3A_304 : i32 to index
          %get3A_374 = arith.constant 64 : index
          %get3A_375 = tpu.vector_load %arg12[%get3A_373, %get3A_374] {strides = array<i32>} : memref<80x128xf32, #tpu.memory_space<vmem>>, vector<1x16xf32>,
          %get3A_376 = vector.shape_cast %get3A_375 : vector<1x16xf32> to vector<16xf32>
          %get3A_377 = arith.index_cast %scan3A_304 : i32 to index
          %get3A_378 = arith.constant 64 : index
          %get3A_379 = tpu.vector_load %arg13[%get3A_377, %get3A_378] {strides = array<i32>} : memref<80x128xf32, #tpu.memory_space<vmem>>, vector<1x16xf32>,
          %get3A_380 = vector.shape_cast %get3A_379 : vector<1x16xf32> to vector<16xf32>
          %add3A_381 = arith.addf %get3A_376, %get3A_380 : vector<16xf32>
          %max3A_382 = arith.constant 0.000000e+00 : f32
          %max3A_383 = vector.broadcast %max3A_382 : f32 to vector<16xf32>
          %max3A_384 = arith.maximumf %add3A_381, %max3A_383 : vector<16xf32>
          %swap3A_385 = arith.index_cast %scan3A_304 : i32 to index
          %swap3A_386 = arith.constant 64 : index
          %swap3A_387 = tpu.vector_load %arg12[%swap3A_385, %swap3A_386] {strides = array<i32>} : memref<80x128xf32, #tpu.memory_space<vmem>>, vector<1x16xf32>,
          %swap3A_388 = vector.shape_cast %swap3A_387 : vector<1x16xf32> to vector<16xf32>
          %swap3A_389 = vector.shape_cast %max3A_384 : vector<16xf32> to vector<1x16xf32>
          tpu.vector_store %arg12[%swap3A_385, %swap3A_386], %swap3A_389 {strides = array<i32>} : memref<80x128xf32, #tpu.memory_space<vmem>>, vector<1x16xf32>,
          %get3A_390 = arith.index_cast %scan3A_304 : i32 to index
          %get3A_391 = arith.constant 80 : index
          %get3A_392 = tpu.vector_load %arg12[%get3A_390, %get3A_391] {strides = array<i32>} : memref<80x128xf32, #tpu.memory_space<vmem>>, vector<1x16xf32>,
          %get3A_393 = vector.shape_cast %get3A_392 : vector<1x16xf32> to vector<16xf32>
          %get3A_394 = arith.index_cast %scan3A_304 : i32 to index
          %get3A_395 = arith.constant 80 : index
          %get3A_396 = tpu.vector_load %arg13[%get3A_394, %get3A_395] {strides = array<i32>} : memref<80x128xf32, #tpu.memory_space<vmem>>, vector<1x16xf32>,
          %get3A_397 = vector.shape_cast %get3A_396 : vector<1x16xf32> to vector<16xf32>
          %add3A_398 = arith.addf %get3A_393, %get3A_397 : vector<16xf32>
          %max3A_399 = arith.constant 0.000000e+00 : f32
          %max3A_400 = vector.broadcast %max3A_399 : f32 to vector<16xf32>
          %max3A_401 = arith.maximumf %add3A_398, %max3A_400 : vector<16xf32>
          %swap3A_402 = arith.index_cast %scan3A_304 : i32 to index
          %swap3A_403 = arith.constant 80 : index
          %swap3A_404 = tpu.vector_load %arg12[%swap3A_402, %swap3A_403] {strides = array<i32>} : memref<80x128xf32, #tpu.memory_space<vmem>>, vector<1x16xf32>,
          %swap3A_405 = vector.shape_cast %swap3A_404 : vector<1x16xf32> to vector<16xf32>
          %swap3A_406 = vector.shape_cast %max3A_401 : vector<16xf32> to vector<1x16xf32>
          tpu.vector_store %arg12[%swap3A_402, %swap3A_403], %swap3A_406 {strides = array<i32>} : memref<80x128xf32, #tpu.memory_space<vmem>>, vector<1x16xf32>,
          %get3A_407 = arith.index_cast %scan3A_304 : i32 to index
          %get3A_408 = arith.constant 96 : index
          %get3A_409 = tpu.vector_load %arg12[%get3A_407, %get3A_408] {strides = array<i32>} : memref<80x128xf32, #tpu.memory_space<vmem>>, vector<1x16xf32>,
          %get3A_410 = vector.shape_cast %get3A_409 : vector<1x16xf32> to vector<16xf32>
          %get3A_411 = arith.index_cast %scan3A_304 : i32 to index
          %get3A_412 = arith.constant 96 : index
          %get3A_413 = tpu.vector_load %arg13[%get3A_411, %get3A_412] {strides = array<i32>} : memref<80x128xf32, #tpu.memory_space<vmem>>, vector<1x16xf32>,
          %get3A_414 = vector.shape_cast %get3A_413 : vector<1x16xf32> to vector<16xf32>
          %add3A_415 = arith.addf %get3A_410, %get3A_414 : vector<16xf32>
          %max3A_416 = arith.constant 0.000000e+00 : f32
          %max3A_417 = vector.broadcast %max3A_416 : f32 to vector<16xf32>
          %max3A_418 = arith.maximumf %add3A_415, %max3A_417 : vector<16xf32>
          %swap3A_419 = arith.index_cast %scan3A_304 : i32 to index
          %swap3A_420 = arith.constant 96 : index
          %swap3A_421 = tpu.vector_load %arg12[%swap3A_419, %swap3A_420] {strides = array<i32>} : memref<80x128xf32, #tpu.memory_space<vmem>>, vector<1x16xf32>,
          %swap3A_422 = vector.shape_cast %swap3A_421 : vector<1x16xf32> to vector<16xf32>
          %swap3A_423 = vector.shape_cast %max3A_418 : vector<16xf32> to vector<1x16xf32>
          tpu.vector_store %arg12[%swap3A_419, %swap3A_420], %swap3A_423 {strides = array<i32>} : memref<80x128xf32, #tpu.memory_space<vmem>>, vector<1x16xf32>,
          %get3A_424 = arith.index_cast %scan3A_304 : i32 to index
          %get3A_425 = arith.constant 112 : index
          %get3A_426 = tpu.vector_load %arg12[%get3A_424, %get3A_425] {strides = array<i32>} : memref<80x128xf32, #tpu.memory_space<vmem>>, vector<1x16xf32>,
          %get3A_427 = vector.shape_cast %get3A_426 : vector<1x16xf32> to vector<16xf32>
          %get3A_428 = arith.index_cast %scan3A_304 : i32 to index
          %get3A_429 = arith.constant 112 : index
          %get3A_430 = tpu.vector_load %arg13[%get3A_428, %get3A_429] {strides = array<i32>} : memref<80x128xf32, #tpu.memory_space<vmem>>, vector<1x16xf32>,
          %get3A_431 = vector.shape_cast %get3A_430 : vector<1x16xf32> to vector<16xf32>
          %add3A_432 = arith.addf %get3A_427, %get3A_431 : vector<16xf32>
          %max3A_433 = arith.constant 0.000000e+00 : f32
          %max3A_434 = vector.broadcast %max3A_433 : f32 to vector<16xf32>
          %max3A_435 = arith.maximumf %add3A_432, %max3A_434 : vector<16xf32>
          %swap3A_436 = arith.index_cast %scan3A_304 : i32 to index
          %swap3A_437 = arith.constant 112 : index
          %swap3A_438 = tpu.vector_load %arg12[%swap3A_436, %swap3A_437] {strides = array<i32>} : memref<80x128xf32, #tpu.memory_space<vmem>>, vector<1x16xf32>,
          %swap3A_439 = vector.shape_cast %swap3A_438 : vector<1x16xf32> to vector<16xf32>
          %swap3A_440 = vector.shape_cast %max3A_435 : vector<16xf32> to vector<1x16xf32>
          tpu.vector_store %arg12[%swap3A_436, %swap3A_437], %swap3A_440 {strides = array<i32>} : memref<80x128xf32, #tpu.memory_space<vmem>>, vector<1x16xf32>,
          %scan3A_441 = arith.constant 0 : i32
          scf.yield %scan3A_441 : i32
        }
        %scan3A_302 = arith.constant 80 : i32
        "tpu.region"() ({
          %run_scoped3A = tpu.sem_alloc : memref<!tpu.dma_semaphore, #tpu.memory_space<semaphore_mem>>
          %dma_start3A_304 = arith.constant 0 : i32
          %dma_start3A_305 = arith.constant 0 : i32
          %dma_start3A_306 = tpu.memref_slice %arg14[%dma_start3A_304, %dma_start3A_305] : memref<10240x128xf32, #tpu.memory_space<vmem_shared>> -> memref<10240x128xf32, #tpu.memory_space<vmem_shared>>
          tpu.enqueue_indirect_dma source(%arg12 : memref<80x128xf32, #tpu.memory_space<vmem>>) target(%dma_start3A_306 : memref<10240x128xf32, #tpu.memory_space<vmem_shared>>) offsets(%arg9 : memref<80xi32, #tpu.memory_space<vmem>>) semaphore(%run_scoped3A : memref<!tpu.dma_semaphore, #tpu.memory_space<semaphore_mem>>) {add = true}
          %dma_wait3A_307 = arith.constant 0 : i32
          %dma_wait3A_308 = arith.constant 0 : i32
          %dma_wait3A_309 = tpu.memref_slice %arg14[%dma_wait3A_307, %dma_wait3A_308] : memref<10240x128xf32, #tpu.memory_space<vmem_shared>> -> memref<10240x128xf32, #tpu.memory_space<vmem_shared>>
          tpu.wait_indirect_dma semaphore(%run_scoped3A : memref<!tpu.dma_semaphore, #tpu.memory_space<semaphore_mem>>) src(%arg12 : memref<80x128xf32, #tpu.memory_space<vmem>>) dst(%dma_wait3A_309 : memref<10240x128xf32, #tpu.memory_space<vmem_shared>>)
          tpu.yield
        }) : () -> ()
        %scan3A_303 = arith.constant 0 : i32
        scf.yield %scan3A_303 : i32
      }
      %scan3A_72 = arith.constant 12 : i32
      %dma_wait3A = arith.constant 1920 : i32
      %dma_wait3A_73 = tpu.memref_slice %arg7[%dma_wait3A] : memref<2000xi32, #tpu.memory_space<vmem>> -> memref<80xi32, #tpu.memory_space<vmem>>
      %dma_wait3A_74 = arith.constant 0 : i32
      %dma_wait3A_75 = arith.constant 0 : i32
      %dma_wait3A_76 = tpu.memref_slice %arg2[%dma_wait3A_74, %dma_wait3A_75] : memref<10000x128xf32, #tpu.memory_space<hbm>> -> memref<10000x128xf32, #tpu.memory_space<hbm>>
      tpu.wait_indirect_dma semaphore(%arg15 : memref<!tpu.dma_semaphore, #tpu.memory_space<semaphore_mem>>) src(%dma_wait3A_76 : memref<10000x128xf32, #tpu.memory_space<hbm>>) dst(%arg10 : memref<80x128xf32, #tpu.memory_space<vmem>>)
      %dma_wait3A_77 = arith.constant 1920 : i32
      %dma_wait3A_78 = tpu.memref_slice %arg8[%dma_wait3A_77] : memref<2000xi32, #tpu.memory_space<vmem>> -> memref<80xi32, #tpu.memory_space<vmem>>
      %dma_wait3A_79 = arith.constant 0 : i32
      %dma_wait3A_80 = arith.constant 0 : i32
      %dma_wait3A_81 = tpu.memref_slice %arg3[%dma_wait3A_79, %dma_wait3A_80] : memref<10000x128xf32, #tpu.memory_space<hbm>> -> memref<10000x128xf32, #tpu.memory_space<hbm>>
      tpu.wait_indirect_dma semaphore(%arg16 : memref<!tpu.dma_semaphore, #tpu.memory_space<semaphore_mem>>) src(%dma_wait3A_81 : memref<10000x128xf32, #tpu.memory_space<hbm>>) dst(%arg11 : memref<80x128xf32, #tpu.memory_space<vmem>>)
      %get3A = arith.constant 1920 : index
      %get3A_82 = tpu.vector_load %arg8[%get3A] {strides = array<i32>} : memref<2000xi32, #tpu.memory_space<vmem>>, vector<16xi32>,
      %get3A_83 = vector.shape_cast %get3A_82 : vector<16xi32> to vector<16xi32>
      %swap3A = arith.constant 0 : index
      %swap3A_84 = tpu.vector_load %arg9[%swap3A] {strides = array<i32>} : memref<80xi32, #tpu.memory_space<vmem>>, vector<16xi32>,
      %swap3A_85 = vector.shape_cast %swap3A_84 : vector<16xi32> to vector<16xi32>
      %swap3A_86 = vector.shape_cast %get3A_83 : vector<16xi32> to vector<16xi32>
      tpu.vector_store %arg9[%swap3A], %swap3A_86 {strides = array<i32>} : memref<80xi32, #tpu.memory_space<vmem>>, vector<16xi32>,
      %get3A_87 = arith.constant 1936 : index
      %get3A_88 = tpu.vector_load %arg8[%get3A_87] {strides = array<i32>} : memref<2000xi32, #tpu.memory_space<vmem>>, vector<16xi32>,
      %get3A_89 = vector.shape_cast %get3A_88 : vector<16xi32> to vector<16xi32>
      %swap3A_90 = arith.constant 16 : index
      %swap3A_91 = tpu.vector_load %arg9[%swap3A_90] {strides = array<i32>} : memref<80xi32, #tpu.memory_space<vmem>>, vector<16xi32>,
      %swap3A_92 = vector.shape_cast %swap3A_91 : vector<16xi32> to vector<16xi32>
      %swap3A_93 = vector.shape_cast %get3A_89 : vector<16xi32> to vector<16xi32>
      tpu.vector_store %arg9[%swap3A_90], %swap3A_93 {strides = array<i32>} : memref<80xi32, #tpu.memory_space<vmem>>, vector<16xi32>,
      %get3A_94 = arith.constant 1952 : index
      %get3A_95 = tpu.vector_load %arg8[%get3A_94] {strides = array<i32>} : memref<2000xi32, #tpu.memory_space<vmem>>, vector<16xi32>,
      %get3A_96 = vector.shape_cast %get3A_95 : vector<16xi32> to vector<16xi32>
      %swap3A_97 = arith.constant 32 : index
      %swap3A_98 = tpu.vector_load %arg9[%swap3A_97] {strides = array<i32>} : memref<80xi32, #tpu.memory_space<vmem>>, vector<16xi32>,
      %swap3A_99 = vector.shape_cast %swap3A_98 : vector<16xi32> to vector<16xi32>
      %swap3A_100 = vector.shape_cast %get3A_96 : vector<16xi32> to vector<16xi32>
      tpu.vector_store %arg9[%swap3A_97], %swap3A_100 {strides = array<i32>} : memref<80xi32, #tpu.memory_space<vmem>>, vector<16xi32>,
      %get3A_101 = arith.constant 1968 : index
      %get3A_102 = tpu.vector_load %arg8[%get3A_101] {strides = array<i32>} : memref<2000xi32, #tpu.memory_space<vmem>>, vector<16xi32>,
      %get3A_103 = vector.shape_cast %get3A_102 : vector<16xi32> to vector<16xi32>
      %swap3A_104 = arith.constant 48 : index
      %swap3A_105 = tpu.vector_load %arg9[%swap3A_104] {strides = array<i32>} : memref<80xi32, #tpu.memory_space<vmem>>, vector<16xi32>,
      %swap3A_106 = vector.shape_cast %swap3A_105 : vector<16xi32> to vector<16xi32>
      %swap3A_107 = vector.shape_cast %get3A_103 : vector<16xi32> to vector<16xi32>
      tpu.vector_store %arg9[%swap3A_104], %swap3A_107 {strides = array<i32>} : memref<80xi32, #tpu.memory_space<vmem>>, vector<16xi32>,
      %get3A_108 = arith.constant 1984 : index
      %get3A_109 = tpu.vector_load %arg8[%get3A_108] {strides = array<i32>} : memref<2000xi32, #tpu.memory_space<vmem>>, vector<16xi32>,
      %get3A_110 = vector.shape_cast %get3A_109 : vector<16xi32> to vector<16xi32>
      %swap3A_111 = arith.constant 64 : index
      %swap3A_112 = tpu.vector_load %arg9[%swap3A_111] {strides = array<i32>} : memref<80xi32, #tpu.memory_space<vmem>>, vector<16xi32>,
      %swap3A_113 = vector.shape_cast %swap3A_112 : vector<16xi32> to vector<16xi32>
      %swap3A_114 = vector.shape_cast %get3A_110 : vector<16xi32> to vector<16xi32>
      tpu.vector_store %arg9[%swap3A_111], %swap3A_114 {strides = array<i32>} : memref<80xi32, #tpu.memory_space<vmem>>, vector<16xi32>,
      %scan3A_115 = arith.constant 0 : i32
      %scan3A_116 = arith.constant 0 : i32
      %scan3A_117 = arith.constant 80 : i32
      %scan3A_118 = arith.addi %scan3A_116, %scan3A_117 : i32
      %scan3A_119 = arith.constant 1 : i32
      %scan3A_120 = scf.for %scan3A_123 = %scan3A_116 to %scan3A_118 step %scan3A_119 iter_args(%scan3A_124 = %scan3A_115) -> (i32)  : i32 {
        %get3A_125 = arith.index_cast %scan3A_123 : i32 to index
        %get3A_126 = arith.constant 0 : index
        %get3A_127 = tpu.vector_load %arg10[%get3A_125, %get3A_126] {strides = array<i32>} : memref<80x128xf32, #tpu.memory_space<vmem>>, vector<1x16xf32>,
        %get3A_128 = vector.shape_cast %get3A_127 : vector<1x16xf32> to vector<16xf32>
        %get3A_129 = arith.index_cast %scan3A_123 : i32 to index
        %get3A_130 = arith.constant 0 : index
        %get3A_131 = tpu.vector_load %arg11[%get3A_129, %get3A_130] {strides = array<i32>} : memref<80x128xf32, #tpu.memory_space<vmem>>, vector<1x16xf32>,
        %get3A_132 = vector.shape_cast %get3A_131 : vector<1x16xf32> to vector<16xf32>
        %add3A_133 = arith.addf %get3A_128, %get3A_132 : vector<16xf32>
        %max3A = arith.constant 0.000000e+00 : f32
        %max3A_134 = vector.broadcast %max3A : f32 to vector<16xf32>
        %max3A_135 = arith.maximumf %add3A_133, %max3A_134 : vector<16xf32>
        %swap3A_136 = arith.index_cast %scan3A_123 : i32 to index
        %swap3A_137 = arith.constant 0 : index
        %swap3A_138 = tpu.vector_load %arg10[%swap3A_136, %swap3A_137] {strides = array<i32>} : memref<80x128xf32, #tpu.memory_space<vmem>>, vector<1x16xf32>,
        %swap3A_139 = vector.shape_cast %swap3A_138 : vector<1x16xf32> to vector<16xf32>
        %swap3A_140 = vector.shape_cast %max3A_135 : vector<16xf32> to vector<1x16xf32>
        tpu.vector_store %arg10[%swap3A_136, %swap3A_137], %swap3A_140 {strides = array<i32>} : memref<80x128xf32, #tpu.memory_space<vmem>>, vector<1x16xf32>,
        %get3A_141 = arith.index_cast %scan3A_123 : i32 to index
        %get3A_142 = arith.constant 16 : index
        %get3A_143 = tpu.vector_load %arg10[%get3A_141, %get3A_142] {strides = array<i32>} : memref<80x128xf32, #tpu.memory_space<vmem>>, vector<1x16xf32>,
        %get3A_144 = vector.shape_cast %get3A_143 : vector<1x16xf32> to vector<16xf32>
        %get3A_145 = arith.index_cast %scan3A_123 : i32 to index
        %get3A_146 = arith.constant 16 : index
        %get3A_147 = tpu.vector_load %arg11[%get3A_145, %get3A_146] {strides = array<i32>} : memref<80x128xf32, #tpu.memory_space<vmem>>, vector<1x16xf32>,
        %get3A_148 = vector.shape_cast %get3A_147 : vector<1x16xf32> to vector<16xf32>
        %add3A_149 = arith.addf %get3A_144, %get3A_148 : vector<16xf32>
        %max3A_150 = arith.constant 0.000000e+00 : f32
        %max3A_151 = vector.broadcast %max3A_150 : f32 to vector<16xf32>
        %max3A_152 = arith.maximumf %add3A_149, %max3A_151 : vector<16xf32>
        %swap3A_153 = arith.index_cast %scan3A_123 : i32 to index
        %swap3A_154 = arith.constant 16 : index
        %swap3A_155 = tpu.vector_load %arg10[%swap3A_153, %swap3A_154] {strides = array<i32>} : memref<80x128xf32, #tpu.memory_space<vmem>>, vector<1x16xf32>,
        %swap3A_156 = vector.shape_cast %swap3A_155 : vector<1x16xf32> to vector<16xf32>
        %swap3A_157 = vector.shape_cast %max3A_152 : vector<16xf32> to vector<1x16xf32>
        tpu.vector_store %arg10[%swap3A_153, %swap3A_154], %swap3A_157 {strides = array<i32>} : memref<80x128xf32, #tpu.memory_space<vmem>>, vector<1x16xf32>,
        %get3A_158 = arith.index_cast %scan3A_123 : i32 to index
        %get3A_159 = arith.constant 32 : index
        %get3A_160 = tpu.vector_load %arg10[%get3A_158, %get3A_159] {strides = array<i32>} : memref<80x128xf32, #tpu.memory_space<vmem>>, vector<1x16xf32>,
        %get3A_161 = vector.shape_cast %get3A_160 : vector<1x16xf32> to vector<16xf32>
        %get3A_162 = arith.index_cast %scan3A_123 : i32 to index
        %get3A_163 = arith.constant 32 : index
        %get3A_164 = tpu.vector_load %arg11[%get3A_162, %get3A_163] {strides = array<i32>} : memref<80x128xf32, #tpu.memory_space<vmem>>, vector<1x16xf32>,
        %get3A_165 = vector.shape_cast %get3A_164 : vector<1x16xf32> to vector<16xf32>
        %add3A_166 = arith.addf %get3A_161, %get3A_165 : vector<16xf32>
        %max3A_167 = arith.constant 0.000000e+00 : f32
        %max3A_168 = vector.broadcast %max3A_167 : f32 to vector<16xf32>
        %max3A_169 = arith.maximumf %add3A_166, %max3A_168 : vector<16xf32>
        %swap3A_170 = arith.index_cast %scan3A_123 : i32 to index
        %swap3A_171 = arith.constant 32 : index
        %swap3A_172 = tpu.vector_load %arg10[%swap3A_170, %swap3A_171] {strides = array<i32>} : memref<80x128xf32, #tpu.memory_space<vmem>>, vector<1x16xf32>,
        %swap3A_173 = vector.shape_cast %swap3A_172 : vector<1x16xf32> to vector<16xf32>
        %swap3A_174 = vector.shape_cast %max3A_169 : vector<16xf32> to vector<1x16xf32>
        tpu.vector_store %arg10[%swap3A_170, %swap3A_171], %swap3A_174 {strides = array<i32>} : memref<80x128xf32, #tpu.memory_space<vmem>>, vector<1x16xf32>,
        %get3A_175 = arith.index_cast %scan3A_123 : i32 to index
        %get3A_176 = arith.constant 48 : index
        %get3A_177 = tpu.vector_load %arg10[%get3A_175, %get3A_176] {strides = array<i32>} : memref<80x128xf32, #tpu.memory_space<vmem>>, vector<1x16xf32>,
        %get3A_178 = vector.shape_cast %get3A_177 : vector<1x16xf32> to vector<16xf32>
        %get3A_179 = arith.index_cast %scan3A_123 : i32 to index
        %get3A_180 = arith.constant 48 : index
        %get3A_181 = tpu.vector_load %arg11[%get3A_179, %get3A_180] {strides = array<i32>} : memref<80x128xf32, #tpu.memory_space<vmem>>, vector<1x16xf32>,
        %get3A_182 = vector.shape_cast %get3A_181 : vector<1x16xf32> to vector<16xf32>
        %add3A_183 = arith.addf %get3A_178, %get3A_182 : vector<16xf32>
        %max3A_184 = arith.constant 0.000000e+00 : f32
        %max3A_185 = vector.broadcast %max3A_184 : f32 to vector<16xf32>
        %max3A_186 = arith.maximumf %add3A_183, %max3A_185 : vector<16xf32>
        %swap3A_187 = arith.index_cast %scan3A_123 : i32 to index
        %swap3A_188 = arith.constant 48 : index
        %swap3A_189 = tpu.vector_load %arg10[%swap3A_187, %swap3A_188] {strides = array<i32>} : memref<80x128xf32, #tpu.memory_space<vmem>>, vector<1x16xf32>,
        %swap3A_190 = vector.shape_cast %swap3A_189 : vector<1x16xf32> to vector<16xf32>
        %swap3A_191 = vector.shape_cast %max3A_186 : vector<16xf32> to vector<1x16xf32>
        tpu.vector_store %arg10[%swap3A_187, %swap3A_188], %swap3A_191 {strides = array<i32>} : memref<80x128xf32, #tpu.memory_space<vmem>>, vector<1x16xf32>,
        %get3A_192 = arith.index_cast %scan3A_123 : i32 to index
        %get3A_193 = arith.constant 64 : index
        %get3A_194 = tpu.vector_load %arg10[%get3A_192, %get3A_193] {strides = array<i32>} : memref<80x128xf32, #tpu.memory_space<vmem>>, vector<1x16xf32>,
        %get3A_195 = vector.shape_cast %get3A_194 : vector<1x16xf32> to vector<16xf32>
        %get3A_196 = arith.index_cast %scan3A_123 : i32 to index
        %get3A_197 = arith.constant 64 : index
        %get3A_198 = tpu.vector_load %arg11[%get3A_196, %get3A_197] {strides = array<i32>} : memref<80x128xf32, #tpu.memory_space<vmem>>, vector<1x16xf32>,
        %get3A_199 = vector.shape_cast %get3A_198 : vector<1x16xf32> to vector<16xf32>
        %add3A_200 = arith.addf %get3A_195, %get3A_199 : vector<16xf32>
        %max3A_201 = arith.constant 0.000000e+00 : f32
        %max3A_202 = vector.broadcast %max3A_201 : f32 to vector<16xf32>
        %max3A_203 = arith.maximumf %add3A_200, %max3A_202 : vector<16xf32>
        %swap3A_204 = arith.index_cast %scan3A_123 : i32 to index
        %swap3A_205 = arith.constant 64 : index
        %swap3A_206 = tpu.vector_load %arg10[%swap3A_204, %swap3A_205] {strides = array<i32>} : memref<80x128xf32, #tpu.memory_space<vmem>>, vector<1x16xf32>,
        %swap3A_207 = vector.shape_cast %swap3A_206 : vector<1x16xf32> to vector<16xf32>
        %swap3A_208 = vector.shape_cast %max3A_203 : vector<16xf32> to vector<1x16xf32>
        tpu.vector_store %arg10[%swap3A_204, %swap3A_205], %swap3A_208 {strides = array<i32>} : memref<80x128xf32, #tpu.memory_space<vmem>>, vector<1x16xf32>,
        %get3A_209 = arith.index_cast %scan3A_123 : i32 to index
        %get3A_210 = arith.constant 80 : index
        %get3A_211 = tpu.vector_load %arg10[%get3A_209, %get3A_210] {strides = array<i32>} : memref<80x128xf32, #tpu.memory_space<vmem>>, vector<1x16xf32>,
        %get3A_212 = vector.shape_cast %get3A_211 : vector<1x16xf32> to vector<16xf32>
        %get3A_213 = arith.index_cast %scan3A_123 : i32 to index
        %get3A_214 = arith.constant 80 : index
        %get3A_215 = tpu.vector_load %arg11[%get3A_213, %get3A_214] {strides = array<i32>} : memref<80x128xf32, #tpu.memory_space<vmem>>, vector<1x16xf32>,
        %get3A_216 = vector.shape_cast %get3A_215 : vector<1x16xf32> to vector<16xf32>
        %add3A_217 = arith.addf %get3A_212, %get3A_216 : vector<16xf32>
        %max3A_218 = arith.constant 0.000000e+00 : f32
        %max3A_219 = vector.broadcast %max3A_218 : f32 to vector<16xf32>
        %max3A_220 = arith.maximumf %add3A_217, %max3A_219 : vector<16xf32>
        %swap3A_221 = arith.index_cast %scan3A_123 : i32 to index
        %swap3A_222 = arith.constant 80 : index
        %swap3A_223 = tpu.vector_load %arg10[%swap3A_221, %swap3A_222] {strides = array<i32>} : memref<80x128xf32, #tpu.memory_space<vmem>>, vector<1x16xf32>,
        %swap3A_224 = vector.shape_cast %swap3A_223 : vector<1x16xf32> to vector<16xf32>
        %swap3A_225 = vector.shape_cast %max3A_220 : vector<16xf32> to vector<1x16xf32>
        tpu.vector_store %arg10[%swap3A_221, %swap3A_222], %swap3A_225 {strides = array<i32>} : memref<80x128xf32, #tpu.memory_space<vmem>>, vector<1x16xf32>,
        %get3A_226 = arith.index_cast %scan3A_123 : i32 to index
        %get3A_227 = arith.constant 96 : index
        %get3A_228 = tpu.vector_load %arg10[%get3A_226, %get3A_227] {strides = array<i32>} : memref<80x128xf32, #tpu.memory_space<vmem>>, vector<1x16xf32>,
        %get3A_229 = vector.shape_cast %get3A_228 : vector<1x16xf32> to vector<16xf32>
        %get3A_230 = arith.index_cast %scan3A_123 : i32 to index
        %get3A_231 = arith.constant 96 : index
        %get3A_232 = tpu.vector_load %arg11[%get3A_230, %get3A_231] {strides = array<i32>} : memref<80x128xf32, #tpu.memory_space<vmem>>, vector<1x16xf32>,
        %get3A_233 = vector.shape_cast %get3A_232 : vector<1x16xf32> to vector<16xf32>
        %add3A_234 = arith.addf %get3A_229, %get3A_233 : vector<16xf32>
        %max3A_235 = arith.constant 0.000000e+00 : f32
        %max3A_236 = vector.broadcast %max3A_235 : f32 to vector<16xf32>
        %max3A_237 = arith.maximumf %add3A_234, %max3A_236 : vector<16xf32>
        %swap3A_238 = arith.index_cast %scan3A_123 : i32 to index
        %swap3A_239 = arith.constant 96 : index
        %swap3A_240 = tpu.vector_load %arg10[%swap3A_238, %swap3A_239] {strides = array<i32>} : memref<80x128xf32, #tpu.memory_space<vmem>>, vector<1x16xf32>,
        %swap3A_241 = vector.shape_cast %swap3A_240 : vector<1x16xf32> to vector<16xf32>
        %swap3A_242 = vector.shape_cast %max3A_237 : vector<16xf32> to vector<1x16xf32>
        tpu.vector_store %arg10[%swap3A_238, %swap3A_239], %swap3A_242 {strides = array<i32>} : memref<80x128xf32, #tpu.memory_space<vmem>>, vector<1x16xf32>,
        %get3A_243 = arith.index_cast %scan3A_123 : i32 to index
        %get3A_244 = arith.constant 112 : index
        %get3A_245 = tpu.vector_load %arg10[%get3A_243, %get3A_244] {strides = array<i32>} : memref<80x128xf32, #tpu.memory_space<vmem>>, vector<1x16xf32>,
        %get3A_246 = vector.shape_cast %get3A_245 : vector<1x16xf32> to vector<16xf32>
        %get3A_247 = arith.index_cast %scan3A_123 : i32 to index
        %get3A_248 = arith.constant 112 : index
        %get3A_249 = tpu.vector_load %arg11[%get3A_247, %get3A_248] {strides = array<i32>} : memref<80x128xf32, #tpu.memory_space<vmem>>, vector<1x16xf32>,
        %get3A_250 = vector.shape_cast %get3A_249 : vector<1x16xf32> to vector<16xf32>
        %add3A_251 = arith.addf %get3A_246, %get3A_250 : vector<16xf32>
        %max3A_252 = arith.constant 0.000000e+00 : f32
        %max3A_253 = vector.broadcast %max3A_252 : f32 to vector<16xf32>
        %max3A_254 = arith.maximumf %add3A_251, %max3A_253 : vector<16xf32>
        %swap3A_255 = arith.index_cast %scan3A_123 : i32 to index
        %swap3A_256 = arith.constant 112 : index
        %swap3A_257 = tpu.vector_load %arg10[%swap3A_255, %swap3A_256] {strides = array<i32>} : memref<80x128xf32, #tpu.memory_space<vmem>>, vector<1x16xf32>,
        %swap3A_258 = vector.shape_cast %swap3A_257 : vector<1x16xf32> to vector<16xf32>
        %swap3A_259 = vector.shape_cast %max3A_254 : vector<16xf32> to vector<1x16xf32>
        tpu.vector_store %arg10[%swap3A_255, %swap3A_256], %swap3A_259 {strides = array<i32>} : memref<80x128xf32, #tpu.memory_space<vmem>>, vector<1x16xf32>,
        %scan3A_260 = arith.constant 0 : i32
        scf.yield %scan3A_260 : i32
      }
      %scan3A_121 = arith.constant 80 : i32
      "tpu.region"() ({
        %run_scoped3A = tpu.sem_alloc : memref<!tpu.dma_semaphore, #tpu.memory_space<semaphore_mem>>
        %dma_start3A_123 = arith.constant 0 : i32
        %dma_start3A_124 = arith.constant 0 : i32
        %dma_start3A_125 = tpu.memref_slice %arg14[%dma_start3A_123, %dma_start3A_124] : memref<10240x128xf32, #tpu.memory_space<vmem_shared>> -> memref<10240x128xf32, #tpu.memory_space<vmem_shared>>
        tpu.enqueue_indirect_dma source(%arg10 : memref<80x128xf32, #tpu.memory_space<vmem>>) target(%dma_start3A_125 : memref<10240x128xf32, #tpu.memory_space<vmem_shared>>) offsets(%arg9 : memref<80xi32, #tpu.memory_space<vmem>>) semaphore(%run_scoped3A : memref<!tpu.dma_semaphore, #tpu.memory_space<semaphore_mem>>) {add = true}
        %dma_wait3A_126 = arith.constant 0 : i32
        %dma_wait3A_127 = arith.constant 0 : i32
        %dma_wait3A_128 = tpu.memref_slice %arg14[%dma_wait3A_126, %dma_wait3A_127] : memref<10240x128xf32, #tpu.memory_space<vmem_shared>> -> memref<10240x128xf32, #tpu.memory_space<vmem_shared>>
        tpu.wait_indirect_dma semaphore(%run_scoped3A : memref<!tpu.dma_semaphore, #tpu.memory_space<semaphore_mem>>) src(%arg10 : memref<80x128xf32, #tpu.memory_space<vmem>>) dst(%dma_wait3A_128 : memref<10240x128xf32, #tpu.memory_space<vmem_shared>>)
        tpu.yield
      }) : () -> ()
      %scan3A_122 = arith.constant 0 : i32
      scf.yield %scan3A_122 : i32
    }
    %scan3A_34 = arith.constant 5 : i32
    %barrier3A_35 = arith.constant 0 : index
    tpu.barrier barrier_id(%barrier3A_35)
    %add3A_36 = arith.constant 0 : i32
    %add3A_37 = arith.addi %mul3A_11, %add3A_36 : i32
    "tpu.region"() ({
      %run_scoped3A = tpu.sem_alloc : memref<!tpu.dma_semaphore, #tpu.memory_space<semaphore_mem>>
      %dma_start3A = arith.constant 0 : i32
      %dma_start3A_52 = tpu.memref_slice %arg6[%arg0, %add3A_37, %dma_start3A] : memref<2x10240x128xf32, #tpu.memory_space<hbm>> -> memref<1x80x128xf32, #tpu.memory_space<hbm>>
      %dma_start3A_53 = tpu.memref_squeeze %dma_start3A_52 : memref<1x80x128xf32, #tpu.memory_space<hbm>> -> memref<80x128xf32, #tpu.memory_space<hbm>>
      %dma_start3A_54 = arith.constant 0 : i32
      %dma_start3A_55 = tpu.memref_slice %arg14[%add3A_37, %dma_start3A_54] : memref<10240x128xf32, #tpu.memory_space<vmem_shared>> -> memref<80x128xf32, #tpu.memory_space<vmem_shared>>
      tpu.enqueue_dma source(%dma_start3A_55 : memref<80x128xf32, #tpu.memory_space<vmem_shared>>) target(%dma_start3A_53 : memref<80x128xf32, #tpu.memory_space<hbm>>) target_semaphore(%run_scoped3A : memref<!tpu.dma_semaphore, #tpu.memory_space<semaphore_mem>>)
      %dma_wait3A = arith.constant 0 : i32
      %dma_wait3A_56 = tpu.memref_slice %arg6[%arg0, %add3A_37, %dma_wait3A] : memref<2x10240x128xf32, #tpu.memory_space<hbm>> -> memref<1x80x128xf32, #tpu.memory_space<hbm>>
      %dma_wait3A_57 = tpu.memref_squeeze %dma_wait3A_56 : memref<1x80x128xf32, #tpu.memory_space<hbm>> -> memref<80x128xf32, #tpu.memory_space<hbm>>
      %dma_wait3A_58 = arith.constant 0 : i32
      %dma_wait3A_59 = tpu.memref_slice %arg14[%add3A_37, %dma_wait3A_58] : memref<10240x128xf32, #tpu.memory_space<vmem_shared>> -> memref<80x128xf32, #tpu.memory_space<vmem_shared>>
      tpu.wait_dma2 semaphore(%run_scoped3A : memref<!tpu.dma_semaphore, #tpu.memory_space<semaphore_mem>>) src(%dma_wait3A_59 : memref<80x128xf32, #tpu.memory_space<vmem_shared>>) dst(%dma_wait3A_57 : memref<80x128xf32, #tpu.memory_space<hbm>>)
      tpu.yield
    }) : () -> ()
    %add3A_38 = arith.constant 80 : i32
    %add3A_39 = arith.addi %mul3A_11, %add3A_38 : i32
    "tpu.region"() ({
      %run_scoped3A = tpu.sem_alloc : memref<!tpu.dma_semaphore, #tpu.memory_space<semaphore_mem>>
      %dma_start3A = arith.constant 0 : i32
      %dma_start3A_52 = tpu.memref_slice %arg6[%arg0, %add3A_39, %dma_start3A] : memref<2x10240x128xf32, #tpu.memory_space<hbm>> -> memref<1x80x128xf32, #tpu.memory_space<hbm>>
      %dma_start3A_53 = tpu.memref_squeeze %dma_start3A_52 : memref<1x80x128xf32, #tpu.memory_space<hbm>> -> memref<80x128xf32, #tpu.memory_space<hbm>>
      %dma_start3A_54 = arith.constant 0 : i32
      %dma_start3A_55 = tpu.memref_slice %arg14[%add3A_39, %dma_start3A_54] : memref<10240x128xf32, #tpu.memory_space<vmem_shared>> -> memref<80x128xf32, #tpu.memory_space<vmem_shared>>
      tpu.enqueue_dma source(%dma_start3A_55 : memref<80x128xf32, #tpu.memory_space<vmem_shared>>) target(%dma_start3A_53 : memref<80x128xf32, #tpu.memory_space<hbm>>) target_semaphore(%run_scoped3A : memref<!tpu.dma_semaphore, #tpu.memory_space<semaphore_mem>>)
      %dma_wait3A = arith.constant 0 : i32
      %dma_wait3A_56 = tpu.memref_slice %arg6[%arg0, %add3A_39, %dma_wait3A] : memref<2x10240x128xf32, #tpu.memory_space<hbm>> -> memref<1x80x128xf32, #tpu.memory_space<hbm>>
      %dma_wait3A_57 = tpu.memref_squeeze %dma_wait3A_56 : memref<1x80x128xf32, #tpu.memory_space<hbm>> -> memref<80x128xf32, #tpu.memory_space<hbm>>
      %dma_wait3A_58 = arith.constant 0 : i32
      %dma_wait3A_59 = tpu.memref_slice %arg14[%add3A_39, %dma_wait3A_58] : memref<10240x128xf32, #tpu.memory_space<vmem_shared>> -> memref<80x128xf32, #tpu.memory_space<vmem_shared>>
      tpu.wait_dma2 semaphore(%run_scoped3A : memref<!tpu.dma_semaphore, #tpu.memory_space<semaphore_mem>>) src(%dma_wait3A_59 : memref<80x128xf32, #tpu.memory_space<vmem_shared>>) dst(%dma_wait3A_57 : memref<80x128xf32, #tpu.memory_space<hbm>>)
      tpu.yield
    }) : () -> ()
    %add3A_40 = arith.constant 160 : i32
    %add3A_41 = arith.addi %mul3A_11, %add3A_40 : i32
    "tpu.region"() ({
      %run_scoped3A = tpu.sem_alloc : memref<!tpu.dma_semaphore, #tpu.memory_space<semaphore_mem>>
      %dma_start3A = arith.constant 0 : i32
      %dma_start3A_52 = tpu.memref_slice %arg6[%arg0, %add3A_41, %dma_start3A] : memref<2x10240x128xf32, #tpu.memory_space<hbm>> -> memref<1x80x128xf32, #tpu.memory_space<hbm>>
      %dma_start3A_53 = tpu.memref_squeeze %dma_start3A_52 : memref<1x80x128xf32, #tpu.memory_space<hbm>> -> memref<80x128xf32, #tpu.memory_space<hbm>>
      %dma_start3A_54 = arith.constant 0 : i32
      %dma_start3A_55 = tpu.memref_slice %arg14[%add3A_41, %dma_start3A_54] : memref<10240x128xf32, #tpu.memory_space<vmem_shared>> -> memref<80x128xf32, #tpu.memory_space<vmem_shared>>
      tpu.enqueue_dma source(%dma_start3A_55 : memref<80x128xf32, #tpu.memory_space<vmem_shared>>) target(%dma_start3A_53 : memref<80x128xf32, #tpu.memory_space<hbm>>) target_semaphore(%run_scoped3A : memref<!tpu.dma_semaphore, #tpu.memory_space<semaphore_mem>>)
      %dma_wait3A = arith.constant 0 : i32
      %dma_wait3A_56 = tpu.memref_slice %arg6[%arg0, %add3A_41, %dma_wait3A] : memref<2x10240x128xf32, #tpu.memory_space<hbm>> -> memref<1x80x128xf32, #tpu.memory_space<hbm>>
      %dma_wait3A_57 = tpu.memref_squeeze %dma_wait3A_56 : memref<1x80x128xf32, #tpu.memory_space<hbm>> -> memref<80x128xf32, #tpu.memory_space<hbm>>
      %dma_wait3A_58 = arith.constant 0 : i32
      %dma_wait3A_59 = tpu.memref_slice %arg14[%add3A_41, %dma_wait3A_58] : memref<10240x128xf32, #tpu.memory_space<vmem_shared>> -> memref<80x128xf32, #tpu.memory_space<vmem_shared>>
      tpu.wait_dma2 semaphore(%run_scoped3A : memref<!tpu.dma_semaphore, #tpu.memory_space<semaphore_mem>>) src(%dma_wait3A_59 : memref<80x128xf32, #tpu.memory_space<vmem_shared>>) dst(%dma_wait3A_57 : memref<80x128xf32, #tpu.memory_space<hbm>>)
      tpu.yield
    }) : () -> ()
    %add3A_42 = arith.constant 240 : i32
    %add3A_43 = arith.addi %mul3A_11, %add3A_42 : i32
    "tpu.region"() ({
      %run_scoped3A = tpu.sem_alloc : memref<!tpu.dma_semaphore, #tpu.memory_space<semaphore_mem>>
      %dma_start3A = arith.constant 0 : i32
      %dma_start3A_52 = tpu.memref_slice %arg6[%arg0, %add3A_43, %dma_start3A] : memref<2x10240x128xf32, #tpu.memory_space<hbm>> -> memref<1x80x128xf32, #tpu.memory_space<hbm>>
      %dma_start3A_53 = tpu.memref_squeeze %dma_start3A_52 : memref<1x80x128xf32, #tpu.memory_space<hbm>> -> memref<80x128xf32, #tpu.memory_space<hbm>>
      %dma_start3A_54 = arith.constant 0 : i32
      %dma_start3A_55 = tpu.memref_slice %arg14[%add3A_43, %dma_start3A_54] : memref<10240x128xf32, #tpu.memory_space<vmem_shared>> -> memref<80x128xf32, #tpu.memory_space<vmem_shared>>
      tpu.enqueue_dma source(%dma_start3A_55 : memref<80x128xf32, #tpu.memory_space<vmem_shared>>) target(%dma_start3A_53 : memref<80x128xf32, #tpu.memory_space<hbm>>) target_semaphore(%run_scoped3A : memref<!tpu.dma_semaphore, #tpu.memory_space<semaphore_mem>>)
      %dma_wait3A = arith.constant 0 : i32
      %dma_wait3A_56 = tpu.memref_slice %arg6[%arg0, %add3A_43, %dma_wait3A] : memref<2x10240x128xf32, #tpu.memory_space<hbm>> -> memref<1x80x128xf32, #tpu.memory_space<hbm>>
      %dma_wait3A_57 = tpu.memref_squeeze %dma_wait3A_56 : memref<1x80x128xf32, #tpu.memory_space<hbm>> -> memref<80x128xf32, #tpu.memory_space<hbm>>
      %dma_wait3A_58 = arith.constant 0 : i32
      %dma_wait3A_59 = tpu.memref_slice %arg14[%add3A_43, %dma_wait3A_58] : memref<10240x128xf32, #tpu.memory_space<vmem_shared>> -> memref<80x128xf32, #tpu.memory_space<vmem_shared>>
      tpu.wait_dma2 semaphore(%run_scoped3A : memref<!tpu.dma_semaphore, #tpu.memory_space<semaphore_mem>>) src(%dma_wait3A_59 : memref<80x128xf32, #tpu.memory_space<vmem_shared>>) dst(%dma_wait3A_57 : memref<80x128xf32, #tpu.memory_space<hbm>>)
      tpu.yield
    }) : () -> ()
    %add3A_44 = arith.constant 320 : i32
    %add3A_45 = arith.addi %mul3A_11, %add3A_44 : i32
    "tpu.region"() ({
      %run_scoped3A = tpu.sem_alloc : memref<!tpu.dma_semaphore, #tpu.memory_space<semaphore_mem>>
      %dma_start3A = arith.constant 0 : i32
      %dma_start3A_52 = tpu.memref_slice %arg6[%arg0, %add3A_45, %dma_start3A] : memref<2x10240x128xf32, #tpu.memory_space<hbm>> -> memref<1x80x128xf32, #tpu.memory_space<hbm>>
      %dma_start3A_53 = tpu.memref_squeeze %dma_start3A_52 : memref<1x80x128xf32, #tpu.memory_space<hbm>> -> memref<80x128xf32, #tpu.memory_space<hbm>>
      %dma_start3A_54 = arith.constant 0 : i32
      %dma_start3A_55 = tpu.memref_slice %arg14[%add3A_45, %dma_start3A_54] : memref<10240x128xf32, #tpu.memory_space<vmem_shared>> -> memref<80x128xf32, #tpu.memory_space<vmem_shared>>
      tpu.enqueue_dma source(%dma_start3A_55 : memref<80x128xf32, #tpu.memory_space<vmem_shared>>) target(%dma_start3A_53 : memref<80x128xf32, #tpu.memory_space<hbm>>) target_semaphore(%run_scoped3A : memref<!tpu.dma_semaphore, #tpu.memory_space<semaphore_mem>>)
      %dma_wait3A = arith.constant 0 : i32
      %dma_wait3A_56 = tpu.memref_slice %arg6[%arg0, %add3A_45, %dma_wait3A] : memref<2x10240x128xf32, #tpu.memory_space<hbm>> -> memref<1x80x128xf32, #tpu.memory_space<hbm>>
      %dma_wait3A_57 = tpu.memref_squeeze %dma_wait3A_56 : memref<1x80x128xf32, #tpu.memory_space<hbm>> -> memref<80x128xf32, #tpu.memory_space<hbm>>
      %dma_wait3A_58 = arith.constant 0 : i32
      %dma_wait3A_59 = tpu.memref_slice %arg14[%add3A_45, %dma_wait3A_58] : memref<10240x128xf32, #tpu.memory_space<vmem_shared>> -> memref<80x128xf32, #tpu.memory_space<vmem_shared>>
      tpu.wait_dma2 semaphore(%run_scoped3A : memref<!tpu.dma_semaphore, #tpu.memory_space<semaphore_mem>>) src(%dma_wait3A_59 : memref<80x128xf32, #tpu.memory_space<vmem_shared>>) dst(%dma_wait3A_57 : memref<80x128xf32, #tpu.memory_space<hbm>>)
      tpu.yield
    }) : () -> ()
    %add3A_46 = arith.constant 400 : i32
    %add3A_47 = arith.addi %mul3A_11, %add3A_46 : i32
    "tpu.region"() ({
      %run_scoped3A = tpu.sem_alloc : memref<!tpu.dma_semaphore, #tpu.memory_space<semaphore_mem>>
      %dma_start3A = arith.constant 0 : i32
      %dma_start3A_52 = tpu.memref_slice %arg6[%arg0, %add3A_47, %dma_start3A] : memref<2x10240x128xf32, #tpu.memory_space<hbm>> -> memref<1x80x128xf32, #tpu.memory_space<hbm>>
      %dma_start3A_53 = tpu.memref_squeeze %dma_start3A_52 : memref<1x80x128xf32, #tpu.memory_space<hbm>> -> memref<80x128xf32, #tpu.memory_space<hbm>>
      %dma_start3A_54 = arith.constant 0 : i32
      %dma_start3A_55 = tpu.memref_slice %arg14[%add3A_47, %dma_start3A_54] : memref<10240x128xf32, #tpu.memory_space<vmem_shared>> -> memref<80x128xf32, #tpu.memory_space<vmem_shared>>
      tpu.enqueue_dma source(%dma_start3A_55 : memref<80x128xf32, #tpu.memory_space<vmem_shared>>) target(%dma_start3A_53 : memref<80x128xf32, #tpu.memory_space<hbm>>) target_semaphore(%run_scoped3A : memref<!tpu.dma_semaphore, #tpu.memory_space<semaphore_mem>>)
      %dma_wait3A = arith.constant 0 : i32
      %dma_wait3A_56 = tpu.memref_slice %arg6[%arg0, %add3A_47, %dma_wait3A] : memref<2x10240x128xf32, #tpu.memory_space<hbm>> -> memref<1x80x128xf32, #tpu.memory_space<hbm>>
      %dma_wait3A_57 = tpu.memref_squeeze %dma_wait3A_56 : memref<1x80x128xf32, #tpu.memory_space<hbm>> -> memref<80x128xf32, #tpu.memory_space<hbm>>
      %dma_wait3A_58 = arith.constant 0 : i32
      %dma_wait3A_59 = tpu.memref_slice %arg14[%add3A_47, %dma_wait3A_58] : memref<10240x128xf32, #tpu.memory_space<vmem_shared>> -> memref<80x128xf32, #tpu.memory_space<vmem_shared>>
      tpu.wait_dma2 semaphore(%run_scoped3A : memref<!tpu.dma_semaphore, #tpu.memory_space<semaphore_mem>>) src(%dma_wait3A_59 : memref<80x128xf32, #tpu.memory_space<vmem_shared>>) dst(%dma_wait3A_57 : memref<80x128xf32, #tpu.memory_space<hbm>>)
      tpu.yield
    }) : () -> ()
    %add3A_48 = arith.constant 480 : i32
    %add3A_49 = arith.addi %mul3A_11, %add3A_48 : i32
    "tpu.region"() ({
      %run_scoped3A = tpu.sem_alloc : memref<!tpu.dma_semaphore, #tpu.memory_space<semaphore_mem>>
      %dma_start3A = arith.constant 0 : i32
      %dma_start3A_52 = tpu.memref_slice %arg6[%arg0, %add3A_49, %dma_start3A] : memref<2x10240x128xf32, #tpu.memory_space<hbm>> -> memref<1x80x128xf32, #tpu.memory_space<hbm>>
      %dma_start3A_53 = tpu.memref_squeeze %dma_start3A_52 : memref<1x80x128xf32, #tpu.memory_space<hbm>> -> memref<80x128xf32, #tpu.memory_space<hbm>>
      %dma_start3A_54 = arith.constant 0 : i32
      %dma_start3A_55 = tpu.memref_slice %arg14[%add3A_49, %dma_start3A_54] : memref<10240x128xf32, #tpu.memory_space<vmem_shared>> -> memref<80x128xf32, #tpu.memory_space<vmem_shared>>
      tpu.enqueue_dma source(%dma_start3A_55 : memref<80x128xf32, #tpu.memory_space<vmem_shared>>) target(%dma_start3A_53 : memref<80x128xf32, #tpu.memory_space<hbm>>) target_semaphore(%run_scoped3A : memref<!tpu.dma_semaphore, #tpu.memory_space<semaphore_mem>>)
      %dma_wait3A = arith.constant 0 : i32
      %dma_wait3A_56 = tpu.memref_slice %arg6[%arg0, %add3A_49, %dma_wait3A] : memref<2x10240x128xf32, #tpu.memory_space<hbm>> -> memref<1x80x128xf32, #tpu.memory_space<hbm>>
      %dma_wait3A_57 = tpu.memref_squeeze %dma_wait3A_56 : memref<1x80x128xf32, #tpu.memory_space<hbm>> -> memref<80x128xf32, #tpu.memory_space<hbm>>
      %dma_wait3A_58 = arith.constant 0 : i32
      %dma_wait3A_59 = tpu.memref_slice %arg14[%add3A_49, %dma_wait3A_58] : memref<10240x128xf32, #tpu.memory_space<vmem_shared>> -> memref<80x128xf32, #tpu.memory_space<vmem_shared>>
      tpu.wait_dma2 semaphore(%run_scoped3A : memref<!tpu.dma_semaphore, #tpu.memory_space<semaphore_mem>>) src(%dma_wait3A_59 : memref<80x128xf32, #tpu.memory_space<vmem_shared>>) dst(%dma_wait3A_57 : memref<80x128xf32, #tpu.memory_space<hbm>>)
      tpu.yield
    }) : () -> ()
    %add3A_50 = arith.constant 560 : i32
    %add3A_51 = arith.addi %mul3A_11, %add3A_50 : i32
    "tpu.region"() ({
      %run_scoped3A = tpu.sem_alloc : memref<!tpu.dma_semaphore, #tpu.memory_space<semaphore_mem>>
      %dma_start3A = arith.constant 0 : i32
      %dma_start3A_52 = tpu.memref_slice %arg6[%arg0, %add3A_51, %dma_start3A] : memref<2x10240x128xf32, #tpu.memory_space<hbm>> -> memref<1x80x128xf32, #tpu.memory_space<hbm>>
      %dma_start3A_53 = tpu.memref_squeeze %dma_start3A_52 : memref<1x80x128xf32, #tpu.memory_space<hbm>> -> memref<80x128xf32, #tpu.memory_space<hbm>>
      %dma_start3A_54 = arith.constant 0 : i32
      %dma_start3A_55 = tpu.memref_slice %arg14[%add3A_51, %dma_start3A_54] : memref<10240x128xf32, #tpu.memory_space<vmem_shared>> -> memref<80x128xf32, #tpu.memory_space<vmem_shared>>
      tpu.enqueue_dma source(%dma_start3A_55 : memref<80x128xf32, #tpu.memory_space<vmem_shared>>) target(%dma_start3A_53 : memref<80x128xf32, #tpu.memory_space<hbm>>) target_semaphore(%run_scoped3A : memref<!tpu.dma_semaphore, #tpu.memory_space<semaphore_mem>>)
      %dma_wait3A = arith.constant 0 : i32
      %dma_wait3A_56 = tpu.memref_slice %arg6[%arg0, %add3A_51, %dma_wait3A] : memref<2x10240x128xf32, #tpu.memory_space<hbm>> -> memref<1x80x128xf32, #tpu.memory_space<hbm>>
      %dma_wait3A_57 = tpu.memref_squeeze %dma_wait3A_56 : memref<1x80x128xf32, #tpu.memory_space<hbm>> -> memref<80x128xf32, #tpu.memory_space<hbm>>
      %dma_wait3A_58 = arith.constant 0 : i32
      %dma_wait3A_59 = tpu.memref_slice %arg14[%add3A_51, %dma_wait3A_58] : memref<10240x128xf32, #tpu.memory_space<vmem_shared>> -> memref<80x128xf32, #tpu.memory_space<vmem_shared>>
      tpu.wait_dma2 semaphore(%run_scoped3A : memref<!tpu.dma_semaphore, #tpu.memory_space<semaphore_mem>>) src(%dma_wait3A_59 : memref<80x128xf32, #tpu.memory_space<vmem_shared>>) dst(%dma_wait3A_57 : memref<80x128xf32, #tpu.memory_space<hbm>>)
      tpu.yield
    }) : () -> ()
    return
  }
}

module attributes {stable_mosaic.version = 14 : i64} {
  func.func @_tc_hist_body(%arg0: memref<64x5000xi32, #tpu.memory_space<vmem>>, %arg1: memref<80x128xf32, #tpu.memory_space<vmem>>) attributes {dimension_semantics = [], scalar_prefetch = 0 : i64, scratch_operands = 0 : i64, tpu.core_type = #tpu.core_type<tc>} {
    %iota3A = tpu.iota {dimensions = array<i32: 0>} : vector<80x5000xi32>
    %iota3A_0 = tpu.iota {dimensions = array<i32: 1>} : vector<5000x128xi32>
    %broadcast_in_dim3A = arith.constant 0.000000e+00 : f32
    %broadcast_in_dim3A_1 = vector.broadcast %broadcast_in_dim3A : f32 to vector<80x128xf32>
    %scan3A = arith.constant 0 : i32
    %scan3A_2 = arith.constant 64 : i32
    %scan3A_3 = arith.addi %scan3A, %scan3A_2 : i32
    %scan3A_4 = arith.constant 1 : i32
    %scan3A_5 = scf.for %scan3A_9 = %scan3A to %scan3A_3 step %scan3A_4 iter_args(%scan3A_10 = %broadcast_in_dim3A_1) -> (vector<80x128xf32>)  : i32 {
      %get3A = arith.index_cast %scan3A_9 : i32 to index
      %get3A_11 = arith.constant 0 : index
      %get3A_12 = vector.load %arg0[%get3A, %get3A_11] : memref<64x5000xi32, #tpu.memory_space<vmem>>, vector<1x5000xi32>
      %get3A_13 = vector.shape_cast %get3A_12 : vector<1x5000xi32> to vector<5000xi32>
      %jit3A = arith.constant 128 : i32
      %div3A = vector.broadcast %jit3A : i32 to vector<5000xi32>
      %div3A_14 = arith.divsi %get3A_13, %div3A : vector<5000xi32>
      %sign3A = arith.constant 0 : i32
      %sign3A_15 = vector.broadcast %sign3A : i32 to vector<5000xi32>
      %sign3A_16 = arith.cmpi sgt, %get3A_13, %sign3A_15 : vector<5000xi32>
      %sign3A_17 = arith.extui %sign3A_16 : vector<5000xi1> to vector<5000xi32>
      %sign3A_18 = arith.constant 0 : i32
      %sign3A_19 = vector.broadcast %sign3A_18 : i32 to vector<5000xi32>
      %sign3A_20 = arith.cmpi slt, %get3A_13, %sign3A_19 : vector<5000xi32>
      %sign3A_21 = arith.extui %sign3A_20 : vector<5000xi1> to vector<5000xi32>
      %sign3A_22 = arith.subi %sign3A_17, %sign3A_21 : vector<5000xi32>
      %sign3A_23 = arith.constant 0 : i32
      %sign3A_24 = arith.cmpi sgt, %jit3A, %sign3A_23 : i32
      %sign3A_25 = arith.extui %sign3A_24 : i1 to i32
      %sign3A_26 = arith.constant 0 : i32
      %sign3A_27 = arith.cmpi slt, %jit3A, %sign3A_26 : i32
      %sign3A_28 = arith.extui %sign3A_27 : i1 to i32
      %sign3A_29 = arith.subi %sign3A_25, %sign3A_28 : i32
      %ne3A = vector.broadcast %sign3A_29 : i32 to vector<5000xi32>
      %ne3A_30 = arith.cmpi ne, %sign3A_22, %ne3A : vector<5000xi32>
      %rem3A = vector.broadcast %jit3A : i32 to vector<5000xi32>
      %rem3A_31 = arith.remsi %get3A_13, %rem3A : vector<5000xi32>
      %ne3A_32 = arith.constant 0 : i32
      %ne3A_33 = vector.broadcast %ne3A_32 : i32 to vector<5000xi32>
      %ne3A_34 = arith.cmpi ne, %rem3A_31, %ne3A_33 : vector<5000xi32>
      %and3A = arith.andi %ne3A_30, %ne3A_34 : vector<5000xi1>
      %sub3A = arith.constant 1 : i32
      %sub3A_35 = vector.broadcast %sub3A : i32 to vector<5000xi32>
      %sub3A_36 = arith.subi %div3A_14, %sub3A_35 : vector<5000xi32>
      %select_n3A = arith.select %and3A, %sub3A_36, %div3A_14 : vector<5000xi1>, vector<5000xi32>
      %broadcast_in_dim3A_37 = vector.shape_cast %select_n3A : vector<5000xi32> to vector<1x5000xi32>
      %eq3A = vector.broadcast %broadcast_in_dim3A_37 : vector<1x5000xi32> to vector<80x5000xi32>
      %eq3A_38 = arith.cmpi eq, %iota3A, %eq3A : vector<80x5000xi32>
      %convert_element_type3A = arith.extui %eq3A_38 : vector<80x5000xi1> to vector<80x5000xi32>
      %convert_element_type3A_39 = arith.sitofp %convert_element_type3A : vector<80x5000xi32> to vector<80x5000xf32>
      %convert_element_type3A_40 = arith.truncf %convert_element_type3A_39 : vector<80x5000xf32> to vector<80x5000xbf16>
      %jit3A_41 = arith.constant 128 : i32
      %eq3A_42 = arith.constant 0 : i32
      %eq3A_43 = arith.cmpi eq, %jit3A_41, %eq3A_42 : i32
      %jit3A_44 = arith.constant 1 : i32
      %select_n3A_45 = arith.select %eq3A_43, %jit3A_44, %jit3A_41 : i32
      %rem3A_46 = vector.broadcast %select_n3A_45 : i32 to vector<5000xi32>
      %rem3A_47 = arith.remsi %get3A_13, %rem3A_46 : vector<5000xi32>
      %ne3A_48 = arith.constant 0 : i32
      %ne3A_49 = vector.broadcast %ne3A_48 : i32 to vector<5000xi32>
      %ne3A_50 = arith.cmpi ne, %rem3A_47, %ne3A_49 : vector<5000xi32>
      %lt3A = arith.constant 0 : i32
      %lt3A_51 = vector.broadcast %lt3A : i32 to vector<5000xi32>
      %lt3A_52 = arith.cmpi slt, %rem3A_47, %lt3A_51 : vector<5000xi32>
      %lt3A_53 = arith.constant 0 : i32
      %lt3A_54 = arith.cmpi slt, %select_n3A_45, %lt3A_53 : i32
      %ne3A_55 = vector.broadcast %lt3A_54 : i1 to vector<5000xi1>
      %ne3A_56 = vector.broadcast %ne3A_55 : vector<5000xi1> to vector<5000xi1>
      %ne3A_57 = arith.xori %lt3A_52, %ne3A_56 : vector<5000xi1>
      %and3A_58 = arith.andi %ne3A_57, %ne3A_50 : vector<5000xi1>
      %add3A = vector.broadcast %select_n3A_45 : i32 to vector<5000xi32>
      %add3A_59 = arith.addi %rem3A_47, %add3A : vector<5000xi32>
      %select_n3A_60 = arith.select %and3A_58, %add3A_59, %rem3A_47 : vector<5000xi1>, vector<5000xi32>
      %broadcast_in_dim3A_61 = vector.shape_cast %select_n3A_60 : vector<5000xi32> to vector<5000x1xi32>
      %eq3A_62 = vector.broadcast %broadcast_in_dim3A_61 : vector<5000x1xi32> to vector<5000x128xi32>
      %eq3A_63 = arith.cmpi eq, %iota3A_0, %eq3A_62 : vector<5000x128xi32>
      %convert_element_type3A_64 = arith.extui %eq3A_63 : vector<5000x128xi1> to vector<5000x128xi32>
      %convert_element_type3A_65 = arith.sitofp %convert_element_type3A_64 : vector<5000x128xi32> to vector<5000x128xf32>
      %convert_element_type3A_66 = arith.truncf %convert_element_type3A_65 : vector<5000x128xf32> to vector<5000x128xbf16>
      %dot_general3A = arith.constant dense<0.000000e+00> : vector<80x128xf32>
      %dot_general3A_67 = tpu.matmul %convert_element_type3A_40, %convert_element_type3A_66, %dot_general3A {dimension_numbers = #tpu.dot_dimension_numbers<[1], [0], [0], [1], [0, 0, 1, 1], [], []>, transpose_lhs_hint = false} : vector<80x5000xbf16>, vector<5000x128xbf16>, vector<80x128xf32> -> vector<80x128xf32>
      %add3A_68 = arith.addf %scan3A_10, %dot_general3A_67 : vector<80x128xf32>
      scf.yield %add3A_68 : vector<80x128xf32>
    }
    %scan3A_6 = arith.constant 64 : i32
    %swap3A = arith.constant 0 : index
    %swap3A_7 = arith.constant 0 : index
    %swap3A_8 = vector.load %arg1[%swap3A, %swap3A_7] : memref<80x128xf32, #tpu.memory_space<vmem>>, vector<80x128xf32>
    tpu.vector_store %arg1[%swap3A, %swap3A_7], %scan3A_5 {strides = array<i32>} : memref<80x128xf32, #tpu.memory_space<vmem>>, vector<80x128xf32>,
    return
  }
}

module attributes {stable_mosaic.version = 14 : i64} {
  func.func @_tc_pre_body(%arg0: memref<10000x128xf32, #tpu.memory_space<vmem>>, %arg1: memref<128x128xf32, #tpu.memory_space<vmem>>, %arg2: memref<1x128xf32, #tpu.memory_space<vmem>>, %arg3: memref<256x128xf32, #tpu.memory_space<vmem>>, %arg4: memref<1x128xf32, #tpu.memory_space<vmem>>, %arg5: memref<10000x128xf32, #tpu.memory_space<vmem>>, %arg6: memref<10000x128xf32, #tpu.memory_space<vmem>>, %arg7: memref<10000x128xf32, #tpu.memory_space<vmem>>) attributes {dimension_semantics = [], scalar_prefetch = 0 : i64, scratch_operands = 0 : i64, tpu.core_type = #tpu.core_type<tc>} {
    %get3A = arith.constant 0 : index
    %get3A_0 = arith.constant 0 : index
    %get3A_1 = vector.load %arg0[%get3A, %get3A_0] : memref<10000x128xf32, #tpu.memory_space<vmem>>, vector<10000x128xf32>
    %get3A_2 = arith.constant 0 : index
    %get3A_3 = arith.constant 0 : index
    %get3A_4 = vector.load %arg1[%get3A_2, %get3A_3] : memref<128x128xf32, #tpu.memory_space<vmem>>, vector<128x128xf32>
    %dot_general3A = arith.constant dense<0.000000e+00> : vector<10000x128xf32>
    %dot_general3A_5 = tpu.matmul %get3A_1, %get3A_4, %dot_general3A {dimension_numbers = #tpu.dot_dimension_numbers<[1], [0], [0], [1], [0, 0, 1, 1], [], []>, transpose_lhs_hint = false} : vector<10000x128xf32>, vector<128x128xf32>, vector<10000x128xf32> -> vector<10000x128xf32>
    %get3A_6 = arith.constant 0 : index
    %get3A_7 = arith.constant 0 : index
    %get3A_8 = vector.load %arg2[%get3A_6, %get3A_7] : memref<1x128xf32, #tpu.memory_space<vmem>>, vector<1x128xf32>
    %add3A = vector.broadcast %get3A_8 : vector<1x128xf32> to vector<10000x128xf32>
    %add3A_9 = arith.addf %dot_general3A_5, %add3A : vector<10000x128xf32>
    %swap3A = arith.constant 0 : index
    %swap3A_10 = arith.constant 0 : index
    %swap3A_11 = vector.load %arg5[%swap3A, %swap3A_10] : memref<10000x128xf32, #tpu.memory_space<vmem>>, vector<10000x128xf32>
    tpu.vector_store %arg5[%swap3A, %swap3A_10], %add3A_9 {strides = array<i32>} : memref<10000x128xf32, #tpu.memory_space<vmem>>, vector<10000x128xf32>,
    %get3A_12 = arith.constant 0 : index
    %get3A_13 = arith.constant 0 : index
    %get3A_14 = vector.load %arg3[%get3A_12, %get3A_13] : memref<256x128xf32, #tpu.memory_space<vmem>>, vector<128x128xf32>
    %dot_general3A_15 = arith.constant dense<0.000000e+00> : vector<10000x128xf32>
    %dot_general3A_16 = tpu.matmul %add3A_9, %get3A_14, %dot_general3A_15 {dimension_numbers = #tpu.dot_dimension_numbers<[1], [0], [0], [1], [0, 0, 1, 1], [], []>, transpose_lhs_hint = false} : vector<10000x128xf32>, vector<128x128xf32>, vector<10000x128xf32> -> vector<10000x128xf32>
    %swap3A_17 = arith.constant 0 : index
    %swap3A_18 = arith.constant 0 : index
    %swap3A_19 = vector.load %arg6[%swap3A_17, %swap3A_18] : memref<10000x128xf32, #tpu.memory_space<vmem>>, vector<10000x128xf32>
    tpu.vector_store %arg6[%swap3A_17, %swap3A_18], %dot_general3A_16 {strides = array<i32>} : memref<10000x128xf32, #tpu.memory_space<vmem>>, vector<10000x128xf32>,
    %get3A_20 = arith.constant 128 : index
    %get3A_21 = arith.constant 0 : index
    %get3A_22 = vector.load %arg3[%get3A_20, %get3A_21] : memref<256x128xf32, #tpu.memory_space<vmem>>, vector<128x128xf32>
    %dot_general3A_23 = arith.constant dense<0.000000e+00> : vector<10000x128xf32>
    %dot_general3A_24 = tpu.matmul %add3A_9, %get3A_22, %dot_general3A_23 {dimension_numbers = #tpu.dot_dimension_numbers<[1], [0], [0], [1], [0, 0, 1, 1], [], []>, transpose_lhs_hint = false} : vector<10000x128xf32>, vector<128x128xf32>, vector<10000x128xf32> -> vector<10000x128xf32>
    %get3A_25 = arith.constant 0 : index
    %get3A_26 = arith.constant 0 : index
    %get3A_27 = vector.load %arg4[%get3A_25, %get3A_26] : memref<1x128xf32, #tpu.memory_space<vmem>>, vector<1x128xf32>
    %add3A_28 = vector.broadcast %get3A_27 : vector<1x128xf32> to vector<10000x128xf32>
    %add3A_29 = arith.addf %dot_general3A_24, %add3A_28 : vector<10000x128xf32>
    %swap3A_30 = arith.constant 0 : index
    %swap3A_31 = arith.constant 0 : index
    %swap3A_32 = vector.load %arg7[%swap3A_30, %swap3A_31] : memref<10000x128xf32, #tpu.memory_space<vmem>>, vector<10000x128xf32>
    tpu.vector_store %arg7[%swap3A_30, %swap3A_31], %add3A_29 {strides = array<i32>} : memref<10000x128xf32, #tpu.memory_space<vmem>>, vector<10000x128xf32>,
    return
  }
}

module attributes {stable_mosaic.version = 14 : i64} {
  func.func @_tc_post_body(%arg0: memref<10000x128xf32, #tpu.memory_space<vmem>>, %arg1: memref<2x10240x128xf32, #tpu.memory_space<vmem>>, %arg2: memref<80x128xf32, #tpu.memory_space<vmem>>, %arg3: memref<256x128xf32, #tpu.memory_space<vmem>>, %arg4: memref<1x128xf32, #tpu.memory_space<vmem>>, %arg5: memref<1x128xf32, #tpu.memory_space<vmem>>, %arg6: memref<1x128xf32, #tpu.memory_space<vmem>>, %arg7: memref<128x64xf32, #tpu.memory_space<vmem>>, %arg8: memref<1x64xf32, #tpu.memory_space<vmem>>, %arg9: memref<1x64xf32, #tpu.memory_space<vmem>>) attributes {dimension_semantics = [], scalar_prefetch = 0 : i64, scratch_operands = 0 : i64, tpu.core_type = #tpu.core_type<tc>} {
    %get3A = arith.constant 0 : index
    %get3A_0 = arith.constant 0 : index
    %get3A_1 = vector.load %arg0[%get3A, %get3A_0] : memref<10000x128xf32, #tpu.memory_space<vmem>>, vector<10000x128xf32>
    %get3A_2 = arith.constant 0 : index
    %get3A_3 = arith.constant 0 : index
    %get3A_4 = arith.constant 0 : index
    %get3A_5 = vector.load %arg1[%get3A_2, %get3A_3, %get3A_4] : memref<2x10240x128xf32, #tpu.memory_space<vmem>>, vector<1x10240x128xf32>
    %get3A_6 = vector.shape_cast %get3A_5 : vector<1x10240x128xf32> to vector<10240x128xf32>
    %get3A_7 = arith.constant 1 : index
    %get3A_8 = arith.constant 0 : index
    %get3A_9 = arith.constant 0 : index
    %get3A_10 = vector.load %arg1[%get3A_7, %get3A_8, %get3A_9] : memref<2x10240x128xf32, #tpu.memory_space<vmem>>, vector<1x10240x128xf32>
    %get3A_11 = vector.shape_cast %get3A_10 : vector<1x10240x128xf32> to vector<10240x128xf32>
    %add3A = arith.addf %get3A_6, %get3A_11 : vector<10240x128xf32>
    %iota3A = tpu.iota {dimensions = array<i32: 0>} : vector<10240x80xi32>
    %iota3A_12 = tpu.iota {dimensions = array<i32: 1>} : vector<10240x80xi32>
    %jit3A = arith.constant 128 : i32
    %div3A = vector.broadcast %jit3A : i32 to vector<10240x80xi32>
    %div3A_13 = arith.divsi %iota3A, %div3A : vector<10240x80xi32>
    %sign3A = arith.constant 0 : i32
    %sign3A_14 = vector.broadcast %sign3A : i32 to vector<10240x80xi32>
    %sign3A_15 = arith.cmpi sgt, %iota3A, %sign3A_14 : vector<10240x80xi32>
    %sign3A_16 = arith.extui %sign3A_15 : vector<10240x80xi1> to vector<10240x80xi32>
    %sign3A_17 = arith.constant 0 : i32
    %sign3A_18 = vector.broadcast %sign3A_17 : i32 to vector<10240x80xi32>
    %sign3A_19 = arith.cmpi slt, %iota3A, %sign3A_18 : vector<10240x80xi32>
    %sign3A_20 = arith.extui %sign3A_19 : vector<10240x80xi1> to vector<10240x80xi32>
    %sign3A_21 = arith.subi %sign3A_16, %sign3A_20 : vector<10240x80xi32>
    %sign3A_22 = arith.constant 0 : i32
    %sign3A_23 = arith.cmpi sgt, %jit3A, %sign3A_22 : i32
    %sign3A_24 = arith.extui %sign3A_23 : i1 to i32
    %sign3A_25 = arith.constant 0 : i32
    %sign3A_26 = arith.cmpi slt, %jit3A, %sign3A_25 : i32
    %sign3A_27 = arith.extui %sign3A_26 : i1 to i32
    %sign3A_28 = arith.subi %sign3A_24, %sign3A_27 : i32
    %ne3A = vector.broadcast %sign3A_28 : i32 to vector<10240x80xi32>
    %ne3A_29 = arith.cmpi ne, %sign3A_21, %ne3A : vector<10240x80xi32>
    %rem3A = vector.broadcast %jit3A : i32 to vector<10240x80xi32>
    %rem3A_30 = arith.remsi %iota3A, %rem3A : vector<10240x80xi32>
    %ne3A_31 = arith.constant 0 : i32
    %ne3A_32 = vector.broadcast %ne3A_31 : i32 to vector<10240x80xi32>
    %ne3A_33 = arith.cmpi ne, %rem3A_30, %ne3A_32 : vector<10240x80xi32>
    %and3A = arith.andi %ne3A_29, %ne3A_33 : vector<10240x80xi1>
    %sub3A = arith.constant 1 : i32
    %sub3A_34 = vector.broadcast %sub3A : i32 to vector<10240x80xi32>
    %sub3A_35 = arith.subi %div3A_13, %sub3A_34 : vector<10240x80xi32>
    %select_n3A = arith.select %and3A, %sub3A_35, %div3A_13 : vector<10240x80xi1>, vector<10240x80xi32>
    %eq3A = arith.cmpi eq, %select_n3A, %iota3A_12 : vector<10240x80xi32>
    %convert_element_type3A = arith.extui %eq3A : vector<10240x80xi1> to vector<10240x80xi32>
    %convert_element_type3A_36 = arith.sitofp %convert_element_type3A : vector<10240x80xi32> to vector<10240x80xf32>
    %iota3A_37 = tpu.iota {dimensions = array<i32: 0>} : vector<10240x128xi32>
    %iota3A_38 = tpu.iota {dimensions = array<i32: 1>} : vector<10240x128xi32>
    %jit3A_39 = arith.constant 128 : i32
    %eq3A_40 = arith.constant 0 : i32
    %eq3A_41 = arith.cmpi eq, %jit3A_39, %eq3A_40 : i32
    %jit3A_42 = arith.constant 1 : i32
    %select_n3A_43 = arith.select %eq3A_41, %jit3A_42, %jit3A_39 : i32
    %rem3A_44 = vector.broadcast %select_n3A_43 : i32 to vector<10240x128xi32>
    %rem3A_45 = arith.remsi %iota3A_37, %rem3A_44 : vector<10240x128xi32>
    %ne3A_46 = arith.constant 0 : i32
    %ne3A_47 = vector.broadcast %ne3A_46 : i32 to vector<10240x128xi32>
    %ne3A_48 = arith.cmpi ne, %rem3A_45, %ne3A_47 : vector<10240x128xi32>
    %lt3A = arith.constant 0 : i32
    %lt3A_49 = vector.broadcast %lt3A : i32 to vector<10240x128xi32>
    %lt3A_50 = arith.cmpi slt, %rem3A_45, %lt3A_49 : vector<10240x128xi32>
    %lt3A_51 = arith.constant 0 : i32
    %lt3A_52 = arith.cmpi slt, %select_n3A_43, %lt3A_51 : i32
    %ne3A_53 = vector.broadcast %lt3A_52 : i1 to vector<10240x128xi1>
    %ne3A_54 = vector.broadcast %ne3A_53 : vector<10240x128xi1> to vector<10240x128xi1>
    %ne3A_55 = arith.xori %lt3A_50, %ne3A_54 : vector<10240x128xi1>
    %and3A_56 = arith.andi %ne3A_55, %ne3A_48 : vector<10240x128xi1>
    %add3A_57 = vector.broadcast %select_n3A_43 : i32 to vector<10240x128xi32>
    %add3A_58 = arith.addi %rem3A_45, %add3A_57 : vector<10240x128xi32>
    %select_n3A_59 = arith.select %and3A_56, %add3A_58, %rem3A_45 : vector<10240x128xi1>, vector<10240x128xi32>
    %eq3A_60 = arith.cmpi eq, %select_n3A_59, %iota3A_38 : vector<10240x128xi32>
    %convert_element_type3A_61 = arith.extui %eq3A_60 : vector<10240x128xi1> to vector<10240x128xi32>
    %convert_element_type3A_62 = arith.sitofp %convert_element_type3A_61 : vector<10240x128xi32> to vector<10240x128xf32>
    %get3A_63 = arith.constant 0 : index
    %get3A_64 = arith.constant 0 : index
    %get3A_65 = vector.load %arg2[%get3A_63, %get3A_64] : memref<80x128xf32, #tpu.memory_space<vmem>>, vector<80x128xf32>
    %dot_general3A = arith.constant dense<0.000000e+00> : vector<10240x128xf32>
    %dot_general3A_66 = tpu.matmul %convert_element_type3A_36, %get3A_65, %dot_general3A {dimension_numbers = #tpu.dot_dimension_numbers<[1], [0], [0], [1], [0, 0, 1, 1], [], []>, transpose_lhs_hint = false} : vector<10240x80xf32>, vector<80x128xf32>, vector<10240x128xf32> -> vector<10240x128xf32>
    %mul3A = arith.mulf %dot_general3A_66, %convert_element_type3A_62 : vector<10240x128xf32>
    %reduce_sum3A = arith.constant dense<0.000000e+00> : vector<10240xf32>
    %reduce_sum3A_67 = vector.multi_reduction <add>, %mul3A, %reduce_sum3A [1] : vector<10240x128xf32> to vector<10240xf32>
    %broadcast_in_dim3A = vector.shape_cast %reduce_sum3A_67 : vector<10240xf32> to vector<10240x1xf32>
    %max3A = arith.constant 1.000000e+00 : f32
    %max3A_68 = vector.broadcast %max3A : f32 to vector<10240x1xf32>
    %max3A_69 = arith.maximumf %broadcast_in_dim3A, %max3A_68 : vector<10240x1xf32>
    %div3A_70 = vector.broadcast %max3A_69 : vector<10240x1xf32> to vector<10240x128xf32>
    %div3A_71 = arith.divf %add3A, %div3A_70 : vector<10240x128xf32>
    %slice3A = vector.extract_strided_slice %div3A_71 {offsets = [0, 0], sizes = [10000, 128], strides = [1, 1]} : vector<10240x128xf32> to vector<10000x128xf32>
    %get3A_72 = arith.constant 0 : index
    %get3A_73 = arith.constant 0 : index
    %get3A_74 = vector.load %arg3[%get3A_72, %get3A_73] : memref<256x128xf32, #tpu.memory_space<vmem>>, vector<128x128xf32>
    %dot_general3A_75 = arith.constant dense<0.000000e+00> : vector<10000x128xf32>
    %dot_general3A_76 = tpu.matmul %get3A_1, %get3A_74, %dot_general3A_75 {dimension_numbers = #tpu.dot_dimension_numbers<[1], [0], [0], [1], [0, 0, 1, 1], [], []>, transpose_lhs_hint = false} : vector<10000x128xf32>, vector<128x128xf32>, vector<10000x128xf32> -> vector<10000x128xf32>
    %get3A_77 = arith.constant 128 : index
    %get3A_78 = arith.constant 0 : index
    %get3A_79 = vector.load %arg3[%get3A_77, %get3A_78] : memref<256x128xf32, #tpu.memory_space<vmem>>, vector<128x128xf32>
    %dot_general3A_80 = arith.constant dense<0.000000e+00> : vector<10000x128xf32>
    %dot_general3A_81 = tpu.matmul %slice3A, %get3A_79, %dot_general3A_80 {dimension_numbers = #tpu.dot_dimension_numbers<[1], [0], [0], [1], [0, 0, 1, 1], [], []>, transpose_lhs_hint = false} : vector<10000x128xf32>, vector<128x128xf32>, vector<10000x128xf32> -> vector<10000x128xf32>
    %add3A_82 = arith.addf %dot_general3A_76, %dot_general3A_81 : vector<10000x128xf32>
    %get3A_83 = arith.constant 0 : index
    %get3A_84 = arith.constant 0 : index
    %get3A_85 = vector.load %arg4[%get3A_83, %get3A_84] : memref<1x128xf32, #tpu.memory_space<vmem>>, vector<1x128xf32>
    %add3A_86 = vector.broadcast %get3A_85 : vector<1x128xf32> to vector<10000x128xf32>
    %add3A_87 = arith.addf %add3A_82, %add3A_86 : vector<10000x128xf32>
    %max3A_88 = arith.constant 0.000000e+00 : f32
    %max3A_89 = vector.broadcast %max3A_88 : f32 to vector<10000x128xf32>
    %max3A_90 = arith.maximumf %add3A_87, %max3A_89 : vector<10000x128xf32>
    %reduce_sum3A_91 = arith.constant dense<0.000000e+00> : vector<10000xf32>
    %reduce_sum3A_92 = vector.multi_reduction <add>, %max3A_90, %reduce_sum3A_91 [1] : vector<10000x128xf32> to vector<10000xf32>
    %broadcast_in_dim3A_93 = vector.shape_cast %reduce_sum3A_92 : vector<10000xf32> to vector<10000x1xf32>
    %div3A_94 = arith.constant 1.280000e+02 : f32
    %div3A_95 = vector.broadcast %div3A_94 : f32 to vector<10000x1xf32>
    %div3A_96 = arith.divf %broadcast_in_dim3A_93, %div3A_95 : vector<10000x1xf32>
    %sub3A_97 = vector.broadcast %div3A_96 : vector<10000x1xf32> to vector<10000x128xf32>
    %sub3A_98 = arith.subf %max3A_90, %sub3A_97 : vector<10000x128xf32>
    %sub3A_99 = vector.broadcast %div3A_96 : vector<10000x1xf32> to vector<10000x128xf32>
    %sub3A_100 = arith.subf %max3A_90, %sub3A_99 : vector<10000x128xf32>
    %mul3A_101 = arith.mulf %sub3A_98, %sub3A_100 : vector<10000x128xf32>
    %reduce_sum3A_102 = arith.constant dense<0.000000e+00> : vector<10000xf32>
    %reduce_sum3A_103 = vector.multi_reduction <add>, %mul3A_101, %reduce_sum3A_102 [1] : vector<10000x128xf32> to vector<10000xf32>
    %broadcast_in_dim3A_104 = vector.shape_cast %reduce_sum3A_103 : vector<10000xf32> to vector<10000x1xf32>
    %div3A_105 = arith.constant 1.280000e+02 : f32
    %div3A_106 = vector.broadcast %div3A_105 : f32 to vector<10000x1xf32>
    %div3A_107 = arith.divf %broadcast_in_dim3A_104, %div3A_106 : vector<10000x1xf32>
    %get3A_108 = arith.constant 0 : index
    %get3A_109 = arith.constant 0 : index
    %get3A_110 = vector.load %arg5[%get3A_108, %get3A_109] : memref<1x128xf32, #tpu.memory_space<vmem>>, vector<1x128xf32>
    %sub3A_111 = vector.broadcast %div3A_96 : vector<10000x1xf32> to vector<10000x128xf32>
    %sub3A_112 = arith.subf %max3A_90, %sub3A_111 : vector<10000x128xf32>
    %mul3A_113 = vector.broadcast %get3A_110 : vector<1x128xf32> to vector<10000x128xf32>
    %mul3A_114 = arith.mulf %mul3A_113, %sub3A_112 : vector<10000x128xf32>
    %add3A_115 = arith.constant 9.99999974E-6 : f32
    %add3A_116 = vector.broadcast %add3A_115 : f32 to vector<10000x1xf32>
    %add3A_117 = arith.addf %div3A_107, %add3A_116 : vector<10000x1xf32>
    %sqrt3A = math.sqrt %add3A_117 : vector<10000x1xf32>
    %div3A_118 = vector.broadcast %sqrt3A : vector<10000x1xf32> to vector<10000x128xf32>
    %div3A_119 = arith.divf %mul3A_114, %div3A_118 : vector<10000x128xf32>
    %get3A_120 = arith.constant 0 : index
    %get3A_121 = arith.constant 0 : index
    %get3A_122 = vector.load %arg6[%get3A_120, %get3A_121] : memref<1x128xf32, #tpu.memory_space<vmem>>, vector<1x128xf32>
    %add3A_123 = vector.broadcast %get3A_122 : vector<1x128xf32> to vector<10000x128xf32>
    %add3A_124 = arith.addf %div3A_119, %add3A_123 : vector<10000x128xf32>
    %add3A_125 = arith.addf %get3A_1, %add3A_124 : vector<10000x128xf32>
    %reduce_sum3A_126 = arith.constant dense<0.000000e+00> : vector<128xf32>
    %reduce_sum3A_127 = vector.multi_reduction <add>, %add3A_125, %reduce_sum3A_126 [0] : vector<10000x128xf32> to vector<128xf32>
    %broadcast_in_dim3A_128 = vector.shape_cast %reduce_sum3A_127 : vector<128xf32> to vector<1x128xf32>
    %mul3A_129 = arith.constant 9.99999974E-5 : f32
    %mul3A_130 = vector.broadcast %mul3A_129 : f32 to vector<1x128xf32>
    %mul3A_131 = arith.mulf %broadcast_in_dim3A_128, %mul3A_130 : vector<1x128xf32>
    %get3A_132 = arith.constant 0 : index
    %get3A_133 = arith.constant 0 : index
    %get3A_134 = vector.load %arg7[%get3A_132, %get3A_133] : memref<128x64xf32, #tpu.memory_space<vmem>>, vector<128x64xf32>
    %dot_general3A_135 = arith.constant dense<0.000000e+00> : vector<1x64xf32>
    %dot_general3A_136 = tpu.matmul %mul3A_131, %get3A_134, %dot_general3A_135 {dimension_numbers = #tpu.dot_dimension_numbers<[1], [0], [0], [1], [0, 0, 1, 1], [], []>, transpose_lhs_hint = false} : vector<1x128xf32>, vector<128x64xf32>, vector<1x64xf32> -> vector<1x64xf32>
    %get3A_137 = arith.constant 0 : index
    %get3A_138 = arith.constant 0 : index
    %get3A_139 = vector.load %arg8[%get3A_137, %get3A_138] : memref<1x64xf32, #tpu.memory_space<vmem>>, vector<1x64xf32>
    %add3A_140 = arith.addf %dot_general3A_136, %get3A_139 : vector<1x64xf32>
    %swap3A = arith.constant 0 : index
    %swap3A_141 = arith.constant 0 : index
    %swap3A_142 = vector.load %arg9[%swap3A, %swap3A_141] : memref<1x64xf32, #tpu.memory_space<vmem>>, vector<1x64xf32>
    tpu.vector_store %arg9[%swap3A, %swap3A_141], %add3A_140 {strides = array<i32>} : memref<1x64xf32, #tpu.memory_space<vmem>>, vector<1x64xf32>,
    return
  }
}

</mosaic_0001>

<sc_bundles>
// kernel: kernel.6.cloned.1.call-start
scs
__scs_entry_jumppad:
0x0: {  	(pc) =	sbr.rel $0x88, $3  }
0x1: {  	(tag) =	ssettag $0x0;
	lr =	simm.s32 $0x1  }
0x2: {  	[smem:$0x3F95] =	sst lr;
	_ =	strace $0xD0000000  }
0x3: {  	_ = 	snop  }
0x4: {  	_ = 	snop  }
0x5: {  	_ = 	snop  }
0x6: {  	_ = 	snop  }
0x7: {  	_ = 	snop  }
__scs_overlays_trampoline_lowered:
0x8: {  	[smem:$0x3FA4] =	sst s0  }
0x9: {  	[smem:$0x3FA5] =	sst s1  }
0xa: {  	[smem:$0x3FA6] =	sst s2  }
0xb: {  	[smem:$0x3FA7] =	sst s3  }
0xc: {  	[smem:$0x3FA8] =	sst s4  }
0xd: {  	[smem:$0x3FA9] =	sst s5  }
0xe: {  	[smem:$0x3FAA] =	sst s6  }
0xf: {  	[smem:$0x3FAB] =	sst s7  }
0x10: {  	[smem:$0x3FAC] =	sst s8  }
0x11: {  	[smem:$0x3FAD] =	sst s9;
	s0 =	simm.s32 @!p0 $0x0  }
0x12: {  	s1 =	sld [smem:$0x3F93];
	s0 =	simm.s32 @p0 $0x1  }
0x13: {  	[smem:$0x3FAE] =	sst s0;
	s0 =	simm.s32 @!p1 $0x0  }
0x14: {  	s2 =	sld [smem:$0x3F92];
	s0 =	simm.s32 @p1 $0x1  }
0x15: {  	[smem:$0x3FAF] =	sst s0;
	s0 =	simm.s32 @!p2 $0x0  }
0x16: {  	s3 =	sld [smem:$0x3FDB];
	s0 =	simm.s32 @p2 $0x1  }
0x17: {  	s4 =	simm.s32 $0x1BF5;
	[smem:$0x3FB1] =	sst s0  }
0x18: {  	s0 =	sld [smem:$0x3F94];
	_ =	swait.ge [sflag:s4], $0x0  }
0x19: {  	s7 =	sld [smem:$0x3F95]  }
0x1a: {  	s8 =	sadd.s32 $0xFFFFE003, lr  }
0x1b: {  	s9 =	sadd.s32 $0xFFFFFEF7, lr;
	s5 =	simm.s32 $0xFFFFFFFF;
	p2 =	slt.u32 s8, $0xFFFFF086  }
0x1c: {  	p1 =	slt.u32 s9, $0xF7A;
	s5 =	simm.s32 @!p2 $0x0  }
0x1d: {  	s5 =	simm.s32 @p1 $0x1;
	p0 =	seq.s32 s7, s2  }
0x1e: {  	s7 =	smul.u32 @!p0 $0xF7A, s2;
	p2 =	seq.s32 @!p0 s5, $0x0  }
0x1f: {  	s9 =	smul.u32 $0xF7A, s1;
	s8 =	simm.s32 @!p0 $0x1BF5;
	p2 =	por !p2, p0  }
0x20: {  	[sflag:s8] =	ssyncset.s32 @!p0 $0xFFFFF086;
	s6 =	sadd.s32 @!p0 s3, s7;
	s7 =	simm.s32 @!p0 $0x108  }
0x21: {  	s3 =	sadd.s32 s3, s9;
	s6 =	sadd.s32 @!p0 $0x88, s6;
	s7 =	simm.s32 @p2 $0x1082  }
0x22: {  	[simem:s7], [sflag:s8] =	dma.local @!p0 [hbm:s6], $0xF7A  }
0x23: {  	s9 =	sor.u32 $0xD0000000, s2;
	s6 =	simm.s32 $0x108;
	_ =	swait.ge @!p0 [sflag:s8], $0x0  }
0x24: {  	s3 =	sadd.s32 $0x88, s3;
	s6 =	simm.s32 @!p1 $0x1082;
	[sflag:s4] =	ssyncset.s32 $0xFFFFF086  }
0x25: {  	[simem:s6], [sflag:s4] =	dma.local [hbm:s3], $0xF7A  }
0x26: {  	[smem:$0x3F95] =	sst s1;
	(tag) =	ssettag s2;
	_ =	strace s9  }
0x27: {  	s1 =	sld [smem:$0x3FA5]  }
0x28: {  	s2 =	sld [smem:$0x3FA6]  }
0x29: {  	s4 =	sld [smem:$0x3FA8]  }
0x2a: {  	p0 =	seq.s32 s5, $0x0;
	s5 =	sld [smem:$0x3FA9]  }
0x2b: {  	s6 =	sld [smem:$0x3FAA]  }
0x2c: {  	s7 =	sld [smem:$0x3FAB]  }
0x2d: {  	s3 =	simm.s32 $0x108;
	s8 =	sld [smem:$0x3FAC]  }
0x2e: {  	s3 =	simm.s32 @!p0 $0x1082;
	s9 =	sld [smem:$0x3FAD]  }
0x2f: {  	lr =	sadd.s32 s0, s3;
	s0 =	sld [smem:$0x3FA4]  }
0x30: {  	s3 =	sld [smem:$0x3FA7]  }
0x31: {  	[smem:$0x3FB0] =	sst s10  }
0x32: {  	s10 =	sld [smem:$0x3FAE];
	_ =	sdelay $0x3  }
0x33: {  	p0 =	seq.s32 s10, $0x1;
	s10 =	sld [smem:$0x3FB0];
	_ =	sdelay $0x3  }
0x34: {  	[smem:$0x3FB0] =	sst s10  }
0x35: {  	s10 =	sld [smem:$0x3FAF];
	_ =	sdelay $0x3  }
0x36: {  	p1 =	seq.s32 s10, $0x1;
	s10 =	sld [smem:$0x3FB0];
	_ =	sdelay $0x3  }
0x37: {  	[smem:$0x3FB0] =	sst s10  }
0x38: {  	s10 =	sld [smem:$0x3FB1]  }
0x39: {  	_ = 	snop;
	(pc) =	sbr.ind lr, $3  }
0x3a: {  	_ = 	snop  }
0x3b: {  	_ = 	snop  }
0x3c: {  	p2 =	seq.s32 s10, $0x1;
	s10 =	sld [smem:$0x3FB0]  }
0x3d: {  	_ =	shalt  }
0x3e: {  	_ =	shalt  }
0x3f: {  	_ =	shalt  }
0x40: {  	_ =	shalt  }
0x41: {  	_ =	shalt  }
0x42: {  	_ =	shalt  }
0x43: {  	_ =	shalt  }
0x44: {  	_ =	shalt  }
0x45: {  	_ =	shalt  }
0x46: {  	_ =	shalt  }
0x47: {  	_ =	shalt  }
0x48: {  	_ =	shalt  }
0x49: {  	_ =	shalt  }
0x4a: {  	_ =	shalt  }
0x4b: {  	_ =	shalt  }
0x4c: {  	_ =	shalt  }
0x4d: {  	_ =	shalt  }
0x4e: {  	_ =	shalt  }
0x4f: {  	_ =	shalt  }
0x50: {  	_ =	shalt  }
0x51: {  	_ =	shalt  }
0x52: {  	_ =	shalt  }
0x53: {  	_ =	shalt  }
0x54: {  	_ =	shalt  }
0x55: {  	_ =	shalt  }
0x56: {  	_ =	shalt  }
0x57: {  	_ =	shalt  }
0x58: {  	_ =	shalt  }
0x59: {  	_ =	shalt  }
0x5a: {  	_ =	shalt  }
0x5b: {  	_ =	shalt  }
0x5c: {  	_ =	shalt  }
0x5d: {  	_ =	shalt  }
0x5e: {  	_ =	shalt  }
0x5f: {  	_ =	shalt  }
0x60: {  	_ =	shalt  }
0x61: {  	_ =	shalt  }
0x62: {  	_ =	shalt  }
0x63: {  	_ =	shalt  }
0x64: {  	_ =	shalt  }
0x65: {  	_ =	shalt  }
0x66: {  	_ =	shalt  }
0x67: {  	_ =	shalt  }
0x68: {  	_ =	shalt  }
0x69: {  	_ =	shalt  }
0x6a: {  	_ =	shalt  }
0x6b: {  	_ =	shalt  }
0x6c: {  	_ =	shalt  }
0x6d: {  	_ =	shalt  }
0x6e: {  	_ =	shalt  }
0x6f: {  	_ =	shalt  }
0x70: {  	_ =	shalt  }
0x71: {  	_ =	shalt  }
0x72: {  	_ =	shalt  }
0x73: {  	_ =	shalt  }
0x74: {  	_ =	shalt  }
0x75: {  	_ =	shalt  }
0x76: {  	_ =	shalt  }
0x77: {  	_ =	shalt  }
0x78: {  	_ =	shalt  }
0x79: {  	_ =	shalt  }
0x7a: {  	_ =	shalt  }
0x7b: {  	_ =	shalt  }
0x7c: {  	_ =	shalt  }
0x7d: {  	_ =	shalt  }
0x7e: {  	_ =	shalt  }
0x7f: {  	_ =	shalt  }
0x80: {  	_ =	shalt  }
0x81: {  	_ =	shalt  }
0x82: {  	_ =	shalt  }
0x83: {  	_ =	shalt  }
0x84: {  	_ =	shalt  }
0x85: {  	_ =	shalt  }
0x86: {  	_ =	shalt  }
0x87: {  	_ =	shalt  }
.Lfunc_end0:
.L_simem_size_0:
called_computation_lowered:
.L_overlay_start_0:
0x88: {  	s2 =	sld [smem:$0x3FD9]  }
0x89: {  	s3 =	sld [smem:$0x3FFE];
	_ =	sdelay $0x1  }
0x8a: {  	s1 =	srdreg.scid  }
0x8b: {  	s0 =	sand.u32 $0x1, s1  }
0x8c: {  	s16 =	sshll.u32 s0, $0xA;
	s2 =	sadd.s32 s3, s2  }
0x8d: {  	s2 =	sadd.s32 s2, s16  }
0x8e: {  	[smem:$0x3FBC] =	sst s2  }
0x8f: {  	_ = 	snop  }
0x90: {  	(tm) =	ssettm $0x1  }
0x91: {  	s17 =	sld [smem:$0x3FFB];
	_ =	sdelay $0x3  }
0x92: {  	_ =	strace s17  }
0x93: {  	s2 =	sld [smem:$0x3FFC];
	_ =	sdelay $0x3  }
0x94: {  	_ =	strace s2  }
0x95: {  	s2 =	sld [smem:$0x3FFD];
	_ =	sdelay $0x3  }
0x96: {  	_ =	strace s2  }
0x97: {  	_ =	strace $0x8FFFFFFF  }
0x98: {  	s18 =	sld [smem:$0x3FDB];
	_ =	sdelay $0x1  }
0x99: {  	s19 =	simm.s32 $_scs_section_size  }
0x9a: {  	s4 =	simm.s32 $_size__tile_overlayer_lowered;
	s5 =	simm.s32 $_tile_overlayer_lowered  }
0x9b: {  	s22 =	simm.s32 $0x1BFF;
	s21 =	sshll.u32 s5, $0x1;
	s2 =	sadd.s32 s19, s18  }
0x9c: {  	s6 =	simm.s32 $0x0;
	s20 =	sshll.u32 s4, $0x1;
	s4 =	sadd.s32 s21, s2  }
0x9d: {  	[timem:s6], [sflag:s22] =	dma.local [hbm:s4], s20  }
0x9e: {  	_ =	swait.ge [sflag:s22], s20  }
0x9f: {  	s3 =	ssub.s32 $0x0, s20;
	[sflag:s22] =	ssyncset.done $0x0  }
0xa0: {  	[sflag:s22] =	ssyncadd.s32 s3;
	_ =	sdelay $0x1  }
0xa1: {  	s23 =	simm.s32 $0x1B8B  }
0xa2: {  	_ =	swait.ge [sflag:s23], $0x1  }
0xa3: {  	[sflag:s23] =	ssyncset.done $0x0  }
0xa4: {  	s25 =	simm.s32 $0x1B8E;
	s24 =	sld [smem:$0x3FFE];
	[sflag:s23] =	ssyncadd.s32 $0xFFFFFFFF  }
0xa5: {  	s26 =	simm.s32 $execute0_lowered;
	[smem:$0x3FD2] =	sst s25  }
0xa6: {  	s4 =	sshll.u32 s26, $0x1;
	_ =	strace $0x80000046;
	[dreg:$0x1] =	wrdreg $0xFFFFFFFF  }
0xa7: {  	s28 =	simm.s32 $_size_execute0_lowered;
	s2 =	sadd.s32 s2, s4;
	[dreg:$0x0] =	wrdreg $0x0  }
0xa8: {  	s4 =	sshll.u32 s28, $0x1;
	[dreg:$0x2] =	wrdreg s2  }
0xa9: {  	[dreg:$0x3] =	wrdreg s4  }
0xaa: {  	[dreg:$0x4] =	wrdreg $0xC0  }
0xab: {  	_ =	task [dreg:s6], $0x5FFFF  }
0xac: {  	[dreg:$0x1] =	wrdreg $0xFFFFFFFF  }
0xad: {  	[dreg:$0x0] =	wrdreg $0x60  }
0xae: {  	[dreg:$0x2] =	wrdreg s24  }
0xaf: {  	[dreg:$0x3] =	wrdreg $0xB0800  }
0xb0: {  	[dreg:$0x4] =	wrdreg $0x9  }
0xb1: {  	_ =	task.clear_ibuf [dreg:s6], $0x5FFFF;
	_ =	strace $0x90000046  }
0xb2: {  	s29 =	simm.s32 $0x9;
	_ =	strace $0x80000048  }
0xb3: {  	_ =	swait.ge [sflag:s29], $0x1  }
0xb4: {  	[sflag:s29] =	ssyncadd.s32 $0xFFFFFFFF  }
0xb5: {  	_ =	strace $0x90000048  }
0xb6: {  	_ =	sfence  }
0xb7: {  	s30 =	sld [smem:$0x0];
	_ =	sdelay $0x2  }
0xb8: {  	s31 =	sshll.u32 s1, $0xD;
	s1 =	sshrl.u32 s1, $0x2  }
0xb9: {  	s3 =	sand.u32 $0x4000, s31;
	s1 =	sadd.s32 s1, s30  }
0xba: {  	s0 =	sor.u32 s3, s0;
	s1 =	sshll.u32 s1, $0x11  }
0xbb: {  	s0 =	sor.u32 s1, s0  }
0xbc: {  	s0 =	sadd.s32 $0x8F2B, s0  }
0xbd: {  	[sflag:s0] =	ssyncadd.remote.s32 $0x1  }
0xbe: {  	_ =	sfence.sel $0xFFFF  }
0xbf: {  	[dreg:$0x0] =	wrdreg $0xFFFFFFFF;
	(pc) =	sbr.abs _section_cstart, $3  }
0xc0: {  	[dreg:$0x1] =	wrdreg $0xFFFFFFFF  }
0xc1: {  	_ =	task.clear_ibuf [dreg:s6], $0x2FFFF;
	_ =	strace $0x9FFFFFFF  }
0xc2: {  	(tm) =	ssettm $0x7FFFFFFF  }
0xc3: {  	_ =	shalt  }
tec
execute0_lowered:
.L_overlay_start_1:
0x0: {  	(tag) =	ssettag $0x1  }
0x1: {  	s0 =	rddreg [dreg:$0x0]  }
0x2: {  	s1 =	rddreg [dreg:$0x1];
	s2 =	simm.s32 $0x0;
	s3 =	srdreg.scid  }
0x3: {  	s20 =	stileid.u32;
	s28 =	simm.s32 $0x5;
	s29 =	simm.s32 $0x800  }
0x4: {  	s30 =	simm.s32 $0x50;
	s31 =	simm.s32 $0x3880;
	[smem:$0x7FF] =	sst s2  }
0x5: {  	s4 =	sadd.s32 $0x15800, s0;
	s3 =	sand.u32 $0x1, s3;
	s7 =	smul.u32 $0x50000, s20  }
0x6: {  	s5 =	sadd.s32 $0x3CA00, s0;
	s10 =	smul.u32 $0x14000, s20;
	s6 =	ssub.s32 $0x2, s3  }
0x7: {  	s8 =	sadd.s32 $0x63C00, s0;
	_ =	strace $0x80000047;
	s9 =	sshrl.u32 s6, $0x1  }
0x8: {  	s11 =	sor.u32 $0x2800, s10;
	s12 =	sadd.s32 $0x5000, s10;
	s13 =	sadd.s32 $0x7800, s10  }
0x9: {  	s6 =	ssub.s32 s6, s9;
	s9 =	sshll.u32 s3, $0x4;
	s3 =	smul.u32 $0x140000, s3  }
0xa: {  	s17 =	sadd.s32 $0xA000, s10;
	s18 =	sadd.s32 $0xC800, s10;
	s19 =	sadd.s32 $0xF000, s10  }
0xb: {  	s20 =	sor.u32 s20, s9;
	s9 =	simm.s32 $0x3;
	s14 =	sadd.s32 s10, s3  }
0xc: {  	s15 =	sadd.s32 s3, s11;
	s10 =	sadd.s32 $0x11800, s10;
	s21 =	sadd.s32 s3, s12  }
0xd: {  	s22 =	sadd.s32 s3, s13;
	s25 =	sadd.s32 s3, s18;
	s26 =	sadd.s32 s3, s19  }
0xe: {  	s18 =	sadd.s32 s18, s1;
	s19 =	sadd.s32 s19, s1;
	s14 =	sshrl.u32 s14, $0x3  }
0xf: {  	s16 =	sshrl.u32 s15, $0x3;
	s15 =	sshrl.u32 s22, $0x3;
	s22 =	sadd.s32 s12, s1  }
0x10: {  	[dreg:$0xd] =	wrdreg s19;
	s14 =	sadd.s32 s8, s14;
	s23 =	sadd.s32 s8, s15  }
0x11: {  	s15 =	sshrl.u32 s26, $0x3;
	[dreg:$0xb] =	wrdreg s22;
	s26 =	smax.u32 s6, $0x1  }
0x12: {  	s6 =	simm.s32 $0x1;
	[dreg:$0x3] =	wrdreg s14;
	s14 =	sadd.s32 s8, s16  }
0x13: {  	s16 =	sadd.s32 s3, s17;
	[dreg:$0x6] =	wrdreg s23;
	s3 =	sadd.s32 s3, s10  }
0x14: {  	s23 =	sadd.s32 s13, s1;
	s17 =	sadd.s32 s17, s1;
	[dreg:$0xf] =	wrdreg s26  }
0x15: {  	s26 =	simm.s32 $0x1080;
	[dreg:$0x4] =	wrdreg s14;
	s14 =	sshrl.u32 s21, $0x3  }
0x16: {  	s24 =	sshrl.u32 s16, $0x3;
	s16 =	sadd.s32 s8, s15;
	s3 =	sshrl.u32 s3, $0x3  }
0x17: {  	s15 =	sadd.s32 $0x1C00, s0;
	s21 =	sshrl.u32 s7, $0x2;
	[dreg:$0xc] =	wrdreg s23  }
0x18: {  	s7 =	simm.s32 $0x2;
	s14 =	sadd.s32 s8, s14;
	[dreg:$0x9] =	wrdreg s16  }
0x19: {  	s3 =	sadd.s32 s8, s3;
	s16 =	smul.u32 $0x2710, s20;
	[dreg:$0x5] =	wrdreg s14  }
0x1a: {  	s20 =	sadd.s32 s21, s1;
	s14 =	sadd.s32 s8, s24;
	[dreg:$0xa] =	wrdreg s3  }
0x1b: {  	s24 =	sadd.s32 s10, s1;
	s3 =	simm.s32 $0x8880;
	s10 =	simm.s32 $0x4  }
0x1c: {  	[dreg:$0x7] =	wrdreg s14;
	s14 =	sshrl.u32 s25, $0x3;
	s25 =	sadd.s32 s11, s1  }
0x1d: {  	[dreg:$0xe] =	wrdreg s24;
	s14 =	sadd.s32 s8, s14;
	s8 =	simm.s32 $0x1000  }
0x1e: {  	v0 =	vimm.f32 $0.0e+00;
	[dreg:$0x8] =	wrdreg s14;
	s14 =	sadd.s32 $0xBA00, s0;
	s0 =	simm.s32 $0x6080  }
.LBB2_1:
0x1f: {  	s11 =	simm.s32 $0x0;
	s12 =	simm.s32 $0x200  }
.LBB2_2:
0x20: {  	p0 =	sne.s32 s12, $0x9E00;
	[tilespmem:s11+$0x10F0] =	vst v0  }
0x21: {  	[tilespmem:s11+$0x1080] =	vst v0  }
0x22: {  	[tilespmem:s11+$0x1090] =	vst v0  }
.Ltmp0:
0x23: {  	[tilespmem:s11+$0x10A0] =	vst v0;
	(pc) =	sbr.rel @p0 .LBB2_2-.Ltmp0, $4  }
0x24: {  	[tilespmem:s11+$0x10B0] =	vst v0  }
0x25: {  	[tilespmem:s11+$0x10C0] =	vst v0  }
0x26: {  	[tilespmem:s11+$0x10D0] =	vst v0  }
0x27: {  	[tilespmem:s11+$0x10E0] =	vst v0;
	s11 =	sshra.s32 s12, $0x2;
	s12 =	sadd.s32 $0x200, s12  }
0x28: {  	[tilespmem:s11+$0x10F0] =	vst v0  }
0x29: {  	[tilespmem:s11+$0x1080] =	vst v0  }
0x2a: {  	[tilespmem:s11+$0x1090] =	vst v0  }
0x2b: {  	[tilespmem:s11+$0x10A0] =	vst v0  }
0x2c: {  	[tilespmem:s11+$0x10B0] =	vst v0  }
0x2d: {  	[tilespmem:s11+$0x10C0] =	vst v0  }
0x2e: {  	[tilespmem:s11+$0x10D0] =	vst v0  }
0x2f: {  	[tilespmem:s11+$0x10E0] =	vst v0  }
0x30: {  	[spmem:s20] =	stream.linear.scatter [tilespmem:s26], [sflag:$0x5], $0x2800, $0x38;
	[tilespmem:$0x1F080] =	vst v63  }
0x31: {  	_ =	swait.ge [sflag:s28], $0x2800  }
0x32: {  	[sflag:s28] =	ssyncset.done $0x0  }
0x33: {  	[sflag:s28] =	ssyncadd.s32 $0xFFFFD800  }
0x34: {  	[spmem:s25] =	stream.linear.scatter [tilespmem:s26], [sflag:$0x5], $0x2800, $0x38;
	[tilespmem:$0x1F080] =	vst v63  }
0x35: {  	_ =	swait.ge [sflag:s28], $0x2800  }
0x36: {  	[sflag:s28] =	ssyncset.done $0x0  }
0x37: {  	s23 =	rddreg [dreg:$0xb];
	[sflag:s28] =	ssyncadd.s32 $0xFFFFD800  }
0x38: {  	[spmem:s23] =	stream.linear.scatter [tilespmem:s26], [sflag:$0x5], $0x2800, $0x38;
	[tilespmem:$0x1F080] =	vst v63  }
0x39: {  	_ =	swait.ge [sflag:s28], $0x2800  }
0x3a: {  	[sflag:s28] =	ssyncset.done $0x0  }
0x3b: {  	s24 =	rddreg [dreg:$0xc];
	[sflag:s28] =	ssyncadd.s32 $0xFFFFD800  }
0x3c: {  	[spmem:s24] =	stream.linear.scatter [tilespmem:s26], [sflag:$0x5], $0x2800, $0x38;
	[tilespmem:$0x1F080] =	vst v63  }
0x3d: {  	_ =	swait.ge [sflag:s28], $0x2800  }
0x3e: {  	[sflag:s28] =	ssyncset.done $0x0  }
0x3f: {  	[sflag:s28] =	ssyncadd.s32 $0xFFFFD800  }
0x40: {  	[spmem:s17] =	stream.linear.scatter [tilespmem:s26], [sflag:$0x5], $0x2800, $0x38;
	[tilespmem:$0x1F080] =	vst v63  }
0x41: {  	_ =	swait.ge [sflag:s28], $0x2800  }
0x42: {  	[sflag:s28] =	ssyncset.done $0x0  }
0x43: {  	[sflag:s28] =	ssyncadd.s32 $0xFFFFD800  }
0x44: {  	[spmem:s18] =	stream.linear.scatter [tilespmem:s26], [sflag:$0x5], $0x2800, $0x38;
	[tilespmem:$0x1F080] =	vst v63  }
0x45: {  	_ =	swait.ge [sflag:s28], $0x2800  }
0x46: {  	[sflag:s28] =	ssyncset.done $0x0  }
0x47: {  	[sflag:s28] =	ssyncadd.s32 $0xFFFFD800  }
0x48: {  	[spmem:s19] =	stream.linear.scatter [tilespmem:s26], [sflag:$0x5], $0x2800, $0x38;
	[tilespmem:$0x1F080] =	vst v63  }
0x49: {  	_ =	swait.ge [sflag:s28], $0x2800  }
0x4a: {  	[sflag:s28] =	ssyncset.done $0x0  }
0x4b: {  	s22 =	smov.u32 s25;
	s25 =	rddreg [dreg:$0xe];
	[sflag:s28] =	ssyncadd.s32 $0xFFFFD800  }
0x4c: {  	[spmem:s25] =	stream.linear.scatter [tilespmem:s26], [sflag:$0x5], $0x2800, $0x38;
	[tilespmem:$0x1F080] =	vst v63  }
0x4d: {  	_ =	swait.ge [sflag:s28], $0x2800  }
0x4e: {  	s21 =	smov.u32 s20;
	[sflag:s28] =	ssyncset.done $0x0  }
0x4f: {  	s11 =	simm.s32 $0x0;
	s12 =	simm.s32 $0x0;
	[sflag:s28] =	ssyncadd.s32 $0xFFFFD800  }
0x50: {  	s23 =	smov.u32 s17;
	s24 =	smov.u32 s18;
	[bflag:$0x0] =	sbarrier.arrive $0xFFFF  }
.LBB2_4:
0x51: {  	s13 =	smul.u32 $0x7D0, s12;
	_ =	sdelay $0x1  }
0x52: {  	s13 =	sadd.s32 s16, s13  }
0x53: {  	s13 =	sshrl.u32 s13, $0x3  }
0x54: {  	s17 =	sadd.s32 s14, s13  }
0x55: {  	[tilespmem:s11], [sflag:$0x5] =	stream.linear.gather [hbm4b:s17+s11], $0x7D0, $0x38;
	[tilespmem:$0x1F080] =	vst v63  }
0x56: {  	_ =	swait.ge [sflag:s28], $0x7D0  }
0x57: {  	[sflag:s28] =	ssyncset.done $0x0  }
0x58: {  	s13 =	sadd.s32 s15, s13;
	[sflag:s28] =	ssyncadd.s32 $0xFFFFF830  }
0x59: {  	[tilespmem:s29], [sflag:$0x5] =	stream.linear.gather [hbm4b:s13+s11], $0x7D0, $0x38;
	[tilespmem:$0x1F080] =	vst v63  }
0x5a: {  	_ =	swait.ge [sflag:s28], $0x7D0  }
0x5b: {  	[sflag:s28] =	ssyncset.done $0x0  }
0x5c: {  	[sflag:s28] =	ssyncadd.s32 $0xFFFFF830  }
0x5d: {  	[tilespmem:s26], [sflag:$0x1] =	stream.indirect.gather [hbm4b:s4+s30], $0x80, s11, s30, $0xb8;
	[tilespmem:$0x1F080] =	vst v63  }
0x5e: {  	s13 =	simm.s32 $0x0  }
0x5f: {  	[tilespmem:s31], [sflag:$0x2] =	stream.indirect.gather [hbm4b:s5+s30], $0x80, s29, s30, $0xb8;
	[tilespmem:$0x1F080] =	vst v63  }
.LBB2_5:
0x60: {  	s25 =	smul.u32 $0xA0, s13;
	_ =	sdelay $0x1  }
0x61: {  	s17 =	sadd.s32 $0x50, s25  }
0x62: {  	[tilespmem:s0], [sflag:$0x3] =	stream.indirect.gather [hbm4b:s4+s30], $0x80, s17, s30, $0xb8;
	[tilespmem:$0x1F080] =	vst v63  }
0x63: {  	s18 =	sadd.s32 $0x850, s25  }
0x64: {  	[tilespmem:s3], [sflag:$0x4] =	stream.indirect.gather [hbm4b:s5+s30], $0x80, s18, s30, $0xb8;
	[tilespmem:$0x1F080] =	vst v63  }
0x65: {  	_ =	swait.ge [sflag:s6], $0x2800  }
0x66: {  	[sflag:s6] =	ssyncset.done $0x0  }
0x67: {  	[sflag:s6] =	ssyncadd.s32 $0xFFFFD800  }
0x68: {  	_ =	swait.ge [sflag:s7], $0x2800  }
0x69: {  	[sflag:s7] =	ssyncset.done $0x0  }
0x6a: {  	[sflag:s7] =	ssyncadd.s32 $0xFFFFD800  }
0x6b: {  	v1 =	vld [tilespmem:s25+$0x800];
	_ =	sdelay $0x4  }
0x6c: {  	[tilespmem:$0x1000] =	vst v1  }
0x6d: {  	v1 =	vld [tilespmem:s25+$0x810];
	_ =	sdelay $0x4  }
0x6e: {  	[tilespmem:$0x1010] =	vst v1  }
0x6f: {  	v1 =	vld [tilespmem:s25+$0x820];
	_ =	sdelay $0x4  }
0x70: {  	[tilespmem:$0x1020] =	vst v1  }
0x71: {  	v1 =	vld [tilespmem:s25+$0x830];
	_ =	sdelay $0x4  }
0x72: {  	[tilespmem:$0x1030] =	vst v1  }
0x73: {  	v1 =	vld [tilespmem:s25+$0x840];
	_ =	sdelay $0x4  }
0x74: {  	s18 =	simm.s32 $0x0;
	[tilespmem:$0x1040] =	vst v1  }
0x75: {  	v7 =	vld [tilespmem:s18+$0x3880]  }
0x76: {  	v12 =	vld [tilespmem:s18+$0x3890]  }
0x77: {  	v6 =	vld [tilespmem:s18+$0x38A0]  }
0x78: {  	v5 =	vld [tilespmem:s18+$0x38B0]  }
0x79: {  	v4 =	vld [tilespmem:s18+$0x38C0]  }
0x7a: {  	v3 =	vld [tilespmem:s18+$0x38D0]  }
0x7b: {  	v2 =	vld [tilespmem:s18+$0x38E0]  }
0x7c: {  	v1 =	vld [tilespmem:s18+$0x38F0]  }
0x7d: {  	v13 =	vld [tilespmem:s18+$0x1080]  }
0x7e: {  	v14 =	vld [tilespmem:s18+$0x1090]  }
0x7f: {  	v11 =	vld [tilespmem:s18+$0x10A0]  }
0x80: {  	v10 =	vld [tilespmem:s18+$0x10B0]  }
0x81: {  	v9 =	vld [tilespmem:s18+$0x10C0]  }
0x82: {  	v8 =	vld [tilespmem:s18+$0x10D0];
	v13 =	vadd.f32 v7, v13  }
0x83: {  	s19 =	simm.s32 $0x200;
	v12 =	vadd.f32 v12, v14;
	v7 =	vld [tilespmem:s18+$0x10E0]  }
.LBB2_6:
0x84: {  	s20 =	sshra.s32 s19, $0x2;
	p0 =	sne.s32 s19, $0x9E00;
	v13 =	vmax.f32 v13, $0.0e+00;
	v6 =	vadd.f32 v6, v11;
	v11 =	vld [tilespmem:s18+$0x10F0]  }
0x85: {  	v14 =	vld [tilespmem:s20+$0x3880];
	[tilespmem:s18+$0x1080] =	vst v13;
	v12 =	vmax.f32 v12, $0.0e+00;
	v5 =	vadd.f32 v5, v10  }
0x86: {  	v15 =	vld [tilespmem:s20+$0x3890];
	[tilespmem:s18+$0x1090] =	vst v12;
	v10 =	vmax.f32 v6, $0.0e+00;
	v4 =	vadd.f32 v4, v9  }
0x87: {  	v6 =	vld [tilespmem:s20+$0x38A0];
	[tilespmem:s18+$0x10A0] =	vst v10;
	v9 =	vmax.f32 v5, $0.0e+00;
	v3 =	vadd.f32 v3, v8  }
0x88: {  	v5 =	vld [tilespmem:s20+$0x38B0];
	[tilespmem:s18+$0x10B0] =	vst v9;
	v8 =	vmax.f32 v4, $0.0e+00;
	v2 =	vadd.f32 v2, v7  }
0x89: {  	v4 =	vld [tilespmem:s20+$0x38C0];
	[tilespmem:s18+$0x10C0] =	vst v8;
	v7 =	vmax.f32 v3, $0.0e+00;
	v1 =	vadd.f32 v1, v11  }
0x8a: {  	v3 =	vld [tilespmem:s20+$0x38D0];
	[tilespmem:s18+$0x10D0] =	vst v7;
	v7 =	vmax.f32 v2, $0.0e+00  }
0x8b: {  	v2 =	vld [tilespmem:s20+$0x38E0];
	[tilespmem:s18+$0x10E0] =	vst v7;
	v7 =	vmax.f32 v1, $0.0e+00  }
0x8c: {  	v1 =	vld [tilespmem:s20+$0x38F0];
	[tilespmem:s18+$0x10F0] =	vst v7;
	s18 =	smov.u32 s20  }
0x8d: {  	v7 =	vld [tilespmem:s18+$0x1080]  }
0x8e: {  	v12 =	vld [tilespmem:s18+$0x1090]  }
.Ltmp1:
0x8f: {  	v11 =	vld [tilespmem:s18+$0x10A0];
	(pc) =	sbr.rel @p0 .LBB2_6-.Ltmp1, $4  }
0x90: {  	v10 =	vld [tilespmem:s18+$0x10B0]  }
0x91: {  	v9 =	vld [tilespmem:s18+$0x10C0]  }
0x92: {  	v13 =	vadd.f32 v14, v7;
	v8 =	vld [tilespmem:s18+$0x10D0]  }
0x93: {  	s19 =	sadd.s32 $0x200, s19;
	v12 =	vadd.f32 v15, v12;
	v7 =	vld [tilespmem:s18+$0x10E0]  }
0x94: {  	v13 =	vmax.f32 v13, $0.0e+00;
	v6 =	vadd.f32 v6, v11;
	v11 =	vld [tilespmem:s18+$0x10F0]  }
0x95: {  	[tilespmem:s18+$0x1080] =	vst v13;
	v12 =	vmax.f32 v12, $0.0e+00;
	v5 =	vadd.f32 v5, v10  }
0x96: {  	[tilespmem:s18+$0x1090] =	vst v12;
	v6 =	vmax.f32 v6, $0.0e+00;
	v4 =	vadd.f32 v4, v9  }
0x97: {  	[tilespmem:s18+$0x10A0] =	vst v6;
	v5 =	vmax.f32 v5, $0.0e+00;
	v3 =	vadd.f32 v3, v8  }
0x98: {  	[tilespmem:s18+$0x10B0] =	vst v5;
	v4 =	vmax.f32 v4, $0.0e+00;
	v2 =	vadd.f32 v2, v7  }
0x99: {  	[tilespmem:s18+$0x10C0] =	vst v4;
	v3 =	vmax.f32 v3, $0.0e+00;
	v1 =	vadd.f32 v1, v11  }
0x9a: {  	[tilespmem:s18+$0x10D0] =	vst v3;
	v2 =	vmax.f32 v2, $0.0e+00  }
0x9b: {  	[tilespmem:s18+$0x10E0] =	vst v2;
	v1 =	vmax.f32 v1, $0.0e+00  }
0x9c: {  	[tilespmem:s18+$0x10F0] =	vst v1  }
0x9d: {  	[spmem:s1] =	stream.indirect.scatter.add.f32 [tilespmem:s26], [sflag:$0x5], $0x80, s8, s30, $0xb8;
	[tilespmem:$0x1F080] =	vst v63  }
0x9e: {  	_ =	swait.ge [sflag:s28], $0x2800  }
0x9f: {  	[sflag:s28] =	ssyncset.done $0x0  }
0xa0: {  	s20 =	sadd.s32 $0xA0, s25;
	[sflag:s28] =	ssyncadd.s32 $0xFFFFD800  }
0xa1: {  	[tilespmem:s26], [sflag:$0x1] =	stream.indirect.gather [hbm4b:s4+s30], $0x80, s20, s30, $0xb8;
	[tilespmem:$0x1F080] =	vst v63  }
0xa2: {  	s19 =	sadd.s32 $0x8A0, s25  }
0xa3: {  	[tilespmem:s31], [sflag:$0x2] =	stream.indirect.gather [hbm4b:s5+s30], $0x80, s19, s30, $0xb8;
	[tilespmem:$0x1F080] =	vst v63  }
0xa4: {  	_ =	swait.ge [sflag:s9], $0x2800  }
0xa5: {  	[sflag:s9] =	ssyncset.done $0x0  }
0xa6: {  	[sflag:s9] =	ssyncadd.s32 $0xFFFFD800  }
0xa7: {  	_ =	swait.ge [sflag:s10], $0x2800  }
0xa8: {  	[sflag:s10] =	ssyncset.done $0x0  }
0xa9: {  	[sflag:s10] =	ssyncadd.s32 $0xFFFFD800  }
0xaa: {  	v1 =	vld [tilespmem:s17+$0x800];
	_ =	sdelay $0x4  }
0xab: {  	[tilespmem:$0x1000] =	vst v1  }
0xac: {  	v1 =	vld [tilespmem:s25+$0x860];
	_ =	sdelay $0x4  }
0xad: {  	[tilespmem:$0x1010] =	vst v1  }
0xae: {  	v1 =	vld [tilespmem:s25+$0x870];
	_ =	sdelay $0x4  }
0xaf: {  	s20 =	sand.u32 $0xFE0, s25;
	[tilespmem:$0x1020] =	vst v1  }
0xb0: {  	v1 =	vld [tilespmem:s20+$0x880];
	_ =	sdelay $0x4  }
0xb1: {  	[tilespmem:$0x1030] =	vst v1  }
0xb2: {  	v1 =	vld [tilespmem:s25+$0x890];
	_ =	sdelay $0x4  }
0xb3: {  	s17 =	simm.s32 $0x0;
	[tilespmem:$0x1040] =	vst v1  }
0xb4: {  	v7 =	vld [tilespmem:s17+$0x8880]  }
0xb5: {  	v12 =	vld [tilespmem:s17+$0x8890]  }
0xb6: {  	v6 =	vld [tilespmem:s17+$0x88A0]  }
0xb7: {  	v5 =	vld [tilespmem:s17+$0x88B0]  }
0xb8: {  	v4 =	vld [tilespmem:s17+$0x88C0]  }
0xb9: {  	v3 =	vld [tilespmem:s17+$0x88D0]  }
0xba: {  	v2 =	vld [tilespmem:s17+$0x88E0]  }
0xbb: {  	v1 =	vld [tilespmem:s17+$0x88F0]  }
0xbc: {  	v13 =	vld [tilespmem:s17+$0x6080]  }
0xbd: {  	v14 =	vld [tilespmem:s17+$0x6090]  }
0xbe: {  	v11 =	vld [tilespmem:s17+$0x60A0]  }
0xbf: {  	v10 =	vld [tilespmem:s17+$0x60B0]  }
0xc0: {  	v9 =	vld [tilespmem:s17+$0x60C0]  }
0xc1: {  	v8 =	vld [tilespmem:s17+$0x60D0];
	v13 =	vadd.f32 v7, v13  }
0xc2: {  	s18 =	simm.s32 $0x200;
	v12 =	vadd.f32 v12, v14;
	v7 =	vld [tilespmem:s17+$0x60E0]  }
.LBB2_8:
0xc3: {  	s19 =	sshra.s32 s18, $0x2;
	p0 =	sne.s32 s18, $0x9E00;
	v13 =	vmax.f32 v13, $0.0e+00;
	v6 =	vadd.f32 v6, v11;
	v11 =	vld [tilespmem:s17+$0x60F0]  }
0xc4: {  	v14 =	vld [tilespmem:s19+$0x8880];
	[tilespmem:s17+$0x6080] =	vst v13;
	v12 =	vmax.f32 v12, $0.0e+00;
	v5 =	vadd.f32 v5, v10  }
0xc5: {  	v15 =	vld [tilespmem:s19+$0x8890];
	[tilespmem:s17+$0x6090] =	vst v12;
	v10 =	vmax.f32 v6, $0.0e+00;
	v4 =	vadd.f32 v4, v9  }
0xc6: {  	v6 =	vld [tilespmem:s19+$0x88A0];
	[tilespmem:s17+$0x60A0] =	vst v10;
	v9 =	vmax.f32 v5, $0.0e+00;
	v3 =	vadd.f32 v3, v8  }
0xc7: {  	v5 =	vld [tilespmem:s19+$0x88B0];
	[tilespmem:s17+$0x60B0] =	vst v9;
	v8 =	vmax.f32 v4, $0.0e+00;
	v2 =	vadd.f32 v2, v7  }
0xc8: {  	v4 =	vld [tilespmem:s19+$0x88C0];
	[tilespmem:s17+$0x60C0] =	vst v8;
	v7 =	vmax.f32 v3, $0.0e+00;
	v1 =	vadd.f32 v1, v11  }
0xc9: {  	v3 =	vld [tilespmem:s19+$0x88D0];
	[tilespmem:s17+$0x60D0] =	vst v7;
	v7 =	vmax.f32 v2, $0.0e+00  }
0xca: {  	v2 =	vld [tilespmem:s19+$0x88E0];
	[tilespmem:s17+$0x60E0] =	vst v7;
	v7 =	vmax.f32 v1, $0.0e+00  }
0xcb: {  	v1 =	vld [tilespmem:s19+$0x88F0];
	[tilespmem:s17+$0x60F0] =	vst v7;
	s17 =	smov.u32 s19  }
0xcc: {  	v7 =	vld [tilespmem:s17+$0x6080]  }
0xcd: {  	v12 =	vld [tilespmem:s17+$0x6090]  }
.Ltmp2:
0xce: {  	v11 =	vld [tilespmem:s17+$0x60A0];
	(pc) =	sbr.rel @p0 .LBB2_8-.Ltmp2, $4  }
0xcf: {  	v10 =	vld [tilespmem:s17+$0x60B0]  }
0xd0: {  	v9 =	vld [tilespmem:s17+$0x60C0]  }
0xd1: {  	v13 =	vadd.f32 v14, v7;
	v8 =	vld [tilespmem:s17+$0x60D0]  }
0xd2: {  	s18 =	sadd.s32 $0x200, s18;
	v12 =	vadd.f32 v15, v12;
	v7 =	vld [tilespmem:s17+$0x60E0]  }
0xd3: {  	v13 =	vmax.f32 v13, $0.0e+00;
	v6 =	vadd.f32 v6, v11;
	v63 =	vld [tilespmem:s17+$0x60F0]  }
0xd4: {  	[tilespmem:s17+$0x6080] =	vst v13;
	v12 =	vmax.f32 v12, $0.0e+00;
	v5 =	vadd.f32 v5, v10  }
0xd5: {  	[tilespmem:s17+$0x6090] =	vst v12;
	v6 =	vmax.f32 v6, $0.0e+00;
	v4 =	vadd.f32 v4, v9  }
0xd6: {  	[tilespmem:s17+$0x60A0] =	vst v6;
	v5 =	vmax.f32 v5, $0.0e+00;
	v3 =	vadd.f32 v3, v8  }
0xd7: {  	[tilespmem:s17+$0x60B0] =	vst v5;
	v4 =	vmax.f32 v4, $0.0e+00;
	v2 =	vadd.f32 v2, v7  }
0xd8: {  	[tilespmem:s17+$0x60C0] =	vst v4;
	v3 =	vmax.f32 v3, $0.0e+00;
	v1 =	vadd.f32 v1, v63  }
0xd9: {  	s13 =	sadd.s32 $0x1, s13;
	[tilespmem:s17+$0x60D0] =	vst v3;
	v2 =	vmax.f32 v2, $0.0e+00  }
0xda: {  	p0 =	sne.s32 s13, $0xC;
	[tilespmem:s17+$0x60E0] =	vst v2;
	v1 =	vmax.f32 v1, $0.0e+00  }
.Ltmp3:
0xdb: {  	[tilespmem:s17+$0x60F0] =	vst v1;
	(pc) =	sbr.rel @p0 .LBB2_5-.Ltmp3, $4  }
0xdc: {  	[spmem:s1] =	stream.indirect.scatter.add.f32 [tilespmem:s0], [sflag:$0x5], $0x80, s8, s30, $0xb8;
	[tilespmem:$0x1F080] =	vst v63  }
0xdd: {  	_ =	swait.ge [sflag:s28], $0x2800  }
0xde: {  	[sflag:s28] =	ssyncset.done $0x0  }
0xdf: {  	[sflag:s28] =	ssyncadd.s32 $0xFFFFD800  }
0xe0: {  	_ =	swait.ge [sflag:s6], $0x2800  }
0xe1: {  	[sflag:s6] =	ssyncset.done $0x0  }
0xe2: {  	[sflag:s6] =	ssyncadd.s32 $0xFFFFD800  }
0xe3: {  	_ =	swait.ge [sflag:s7], $0x2800  }
0xe4: {  	[sflag:s7] =	ssyncset.done $0x0  }
0xe5: {  	[sflag:s7] =	ssyncadd.s32 $0xFFFFD800  }
0xe6: {  	v1 =	vld [tilespmem:$0xF80]  }
0xe7: {  	v2 =	vld [tilespmem:$0xF90]  }
0xe8: {  	v3 =	vld [tilespmem:$0xFA0]  }
0xe9: {  	v4 =	vld [tilespmem:$0xFB0]  }
0xea: {  	v5 =	vld [tilespmem:$0xFC0]  }
0xeb: {  	[tilespmem:$0x1000] =	vst v1  }
0xec: {  	[tilespmem:$0x1010] =	vst v2  }
0xed: {  	[tilespmem:$0x1020] =	vst v3  }
0xee: {  	[tilespmem:$0x1030] =	vst v4  }
0xef: {  	s13 =	simm.s32 $0x0;
	[tilespmem:$0x1040] =	vst v5  }
0xf0: {  	v7 =	vld [tilespmem:s13+$0x3880]  }
0xf1: {  	v12 =	vld [tilespmem:s13+$0x3890]  }
0xf2: {  	v6 =	vld [tilespmem:s13+$0x38A0]  }
0xf3: {  	v5 =	vld [tilespmem:s13+$0x38B0]  }
0xf4: {  	v4 =	vld [tilespmem:s13+$0x38C0]  }
0xf5: {  	v3 =	vld [tilespmem:s13+$0x38D0]  }
0xf6: {  	v2 =	vld [tilespmem:s13+$0x38E0]  }
0xf7: {  	v1 =	vld [tilespmem:s13+$0x38F0]  }
0xf8: {  	v13 =	vld [tilespmem:s13+$0x1080]  }
0xf9: {  	v14 =	vld [tilespmem:s13+$0x1090]  }
0xfa: {  	v11 =	vld [tilespmem:s13+$0x10A0]  }
0xfb: {  	v10 =	vld [tilespmem:s13+$0x10B0]  }
0xfc: {  	v9 =	vld [tilespmem:s13+$0x10C0]  }
0xfd: {  	v8 =	vld [tilespmem:s13+$0x10D0];
	v13 =	vadd.f32 v7, v13  }
0xfe: {  	s17 =	simm.s32 $0x200;
	v12 =	vadd.f32 v12, v14;
	v7 =	vld [tilespmem:s13+$0x10E0]  }
.LBB2_11:
0xff: {  	s18 =	sshra.s32 s17, $0x2;
	p0 =	sne.s32 s17, $0x9E00;
	v13 =	vmax.f32 v13, $0.0e+00;
	v6 =	vadd.f32 v6, v11;
	v11 =	vld [tilespmem:s13+$0x10F0]  }
0x100: {  	v14 =	vld [tilespmem:s18+$0x3880];
	[tilespmem:s13+$0x1080] =	vst v13;
	v12 =	vmax.f32 v12, $0.0e+00;
	v5 =	vadd.f32 v5, v10  }
0x101: {  	v15 =	vld [tilespmem:s18+$0x3890];
	[tilespmem:s13+$0x1090] =	vst v12;
	v10 =	vmax.f32 v6, $0.0e+00;
	v4 =	vadd.f32 v4, v9  }
0x102: {  	v6 =	vld [tilespmem:s18+$0x38A0];
	[tilespmem:s13+$0x10A0] =	vst v10;
	v9 =	vmax.f32 v5, $0.0e+00;
	v3 =	vadd.f32 v3, v8  }
0x103: {  	v5 =	vld [tilespmem:s18+$0x38B0];
	[tilespmem:s13+$0x10B0] =	vst v9;
	v8 =	vmax.f32 v4, $0.0e+00;
	v2 =	vadd.f32 v2, v7  }
0x104: {  	v4 =	vld [tilespmem:s18+$0x38C0];
	[tilespmem:s13+$0x10C0] =	vst v8;
	v7 =	vmax.f32 v3, $0.0e+00;
	v1 =	vadd.f32 v1, v11  }
0x105: {  	v3 =	vld [tilespmem:s18+$0x38D0];
	[tilespmem:s13+$0x10D0] =	vst v7;
	v7 =	vmax.f32 v2, $0.0e+00  }
0x106: {  	v2 =	vld [tilespmem:s18+$0x38E0];
	[tilespmem:s13+$0x10E0] =	vst v7;
	v7 =	vmax.f32 v1, $0.0e+00  }
0x107: {  	v1 =	vld [tilespmem:s18+$0x38F0];
	[tilespmem:s13+$0x10F0] =	vst v7;
	s13 =	smov.u32 s18  }
0x108: {  	v7 =	vld [tilespmem:s13+$0x1080]  }
0x109: {  	v12 =	vld [tilespmem:s13+$0x1090]  }
.Ltmp4:
0x10a: {  	v11 =	vld [tilespmem:s13+$0x10A0];
	(pc) =	sbr.rel @p0 .LBB2_11-.Ltmp4, $4  }
0x10b: {  	v10 =	vld [tilespmem:s13+$0x10B0]  }
0x10c: {  	v9 =	vld [tilespmem:s13+$0x10C0]  }
0x10d: {  	v13 =	vadd.f32 v14, v7;
	v8 =	vld [tilespmem:s13+$0x10D0]  }
0x10e: {  	s17 =	sadd.s32 $0x200, s17;
	v12 =	vadd.f32 v15, v12;
	v7 =	vld [tilespmem:s13+$0x10E0]  }
0x10f: {  	v13 =	vmax.f32 v13, $0.0e+00;
	v6 =	vadd.f32 v6, v11;
	v63 =	vld [tilespmem:s13+$0x10F0]  }
0x110: {  	[tilespmem:s13+$0x1080] =	vst v13;
	v12 =	vmax.f32 v12, $0.0e+00;
	v5 =	vadd.f32 v5, v10  }
0x111: {  	[tilespmem:s13+$0x1090] =	vst v12;
	v6 =	vmax.f32 v6, $0.0e+00;
	v4 =	vadd.f32 v4, v9  }
0x112: {  	[tilespmem:s13+$0x10A0] =	vst v6;
	v5 =	vmax.f32 v5, $0.0e+00;
	v3 =	vadd.f32 v3, v8  }
0x113: {  	[tilespmem:s13+$0x10B0] =	vst v5;
	v4 =	vmax.f32 v4, $0.0e+00;
	v2 =	vadd.f32 v2, v7  }
0x114: {  	[tilespmem:s13+$0x10C0] =	vst v4;
	v3 =	vmax.f32 v3, $0.0e+00;
	v1 =	vadd.f32 v1, v63  }
0x115: {  	s12 =	sadd.s32 $0x1, s12;
	[tilespmem:s13+$0x10D0] =	vst v3;
	v2 =	vmax.f32 v2, $0.0e+00  }
0x116: {  	p0 =	sne.s32 s12, $0x5;
	[tilespmem:s13+$0x10E0] =	vst v2;
	v1 =	vmax.f32 v1, $0.0e+00  }
.Ltmp5:
0x117: {  	[tilespmem:s13+$0x10F0] =	vst v1;
	(pc) =	sbr.rel @p0 .LBB2_4-.Ltmp5, $4  }
0x118: {  	[spmem:s1] =	stream.indirect.scatter.add.f32 [tilespmem:s26], [sflag:$0x5], $0x80, s8, s30, $0xb8;
	[tilespmem:$0x1F080] =	vst v63  }
0x119: {  	_ =	swait.ge [sflag:s28], $0x2800  }
0x11a: {  	[sflag:s28] =	ssyncset.done $0x0  }
0x11b: {  	[sflag:s28] =	ssyncadd.s32 $0xFFFFD800  }
0x11c: {  	s11 =	stileid.u32  }
0x11d: {  	[bflag:$0x0] =	sbarrier.arrive $0xFFFF;
	s11 =	sshll.u32 s11, $0x6  }
0x11e: {  	s12 =	sshrl.u32 s21, $0x3;
	s13 =	rddreg [dreg:$0x3];
	s11 =	sor.u32 $0x1C05, s11  }
0x11f: {  	[hbm:s13], [sflag:s11] =	dma.local [spmem:s12], $0x500  }
0x120: {  	_ =	swait.ge [sflag:s28], $0x500  }
0x121: {  	s20 =	smov.u32 s21;
	s25 =	smov.u32 s22;
	[sflag:s28] =	ssyncset.done $0x0  }
0x122: {  	s21 =	sshrl.u32 s22, $0x3;
	s22 =	rddreg [dreg:$0x4];
	[sflag:s28] =	ssyncadd.s32 $0xFFFFFB00  }
0x123: {  	[hbm:s22], [sflag:s11] =	dma.local [spmem:s21], $0x500  }
0x124: {  	_ =	swait.ge [sflag:s28], $0x500  }
0x125: {  	[sflag:s28] =	ssyncset.done $0x0;
	s13 =	rddreg [dreg:$0xb]  }
0x126: {  	s17 =	rddreg [dreg:$0x5];
	[sflag:s28] =	ssyncadd.s32 $0xFFFFFB00;
	s12 =	sshrl.u32 s13, $0x3  }
0x127: {  	[hbm:s17], [sflag:s11] =	dma.local [spmem:s12], $0x500  }
0x128: {  	_ =	swait.ge [sflag:s28], $0x500  }
0x129: {  	[sflag:s28] =	ssyncset.done $0x0;
	s18 =	rddreg [dreg:$0xc]  }
0x12a: {  	s19 =	rddreg [dreg:$0x6];
	[sflag:s28] =	ssyncadd.s32 $0xFFFFFB00;
	s12 =	sshrl.u32 s18, $0x3  }
0x12b: {  	[hbm:s19], [sflag:s11] =	dma.local [spmem:s12], $0x500  }
0x12c: {  	_ =	swait.ge [sflag:s28], $0x500  }
0x12d: {  	[sflag:s28] =	ssyncset.done $0x0  }
0x12e: {  	s21 =	sshrl.u32 s23, $0x3;
	s22 =	rddreg [dreg:$0x7];
	[sflag:s28] =	ssyncadd.s32 $0xFFFFFB00  }
0x12f: {  	[hbm:s22], [sflag:s11] =	dma.local [spmem:s21], $0x500  }
0x130: {  	_ =	swait.ge [sflag:s28], $0x500  }
0x131: {  	s17 =	smov.u32 s23;
	s23 =	sshrl.u32 s24, $0x3;
	[sflag:s28] =	ssyncset.done $0x0  }
0x132: {  	s18 =	smov.u32 s24;
	s24 =	rddreg [dreg:$0x8];
	[sflag:s28] =	ssyncadd.s32 $0xFFFFFB00  }
0x133: {  	[hbm:s24], [sflag:s11] =	dma.local [spmem:s23], $0x500  }
0x134: {  	_ =	swait.ge [sflag:s28], $0x500  }
0x135: {  	[sflag:s28] =	ssyncset.done $0x0;
	s19 =	rddreg [dreg:$0xd]  }
0x136: {  	s21 =	rddreg [dreg:$0x9];
	[sflag:s28] =	ssyncadd.s32 $0xFFFFFB00;
	s13 =	sshrl.u32 s19, $0x3  }
0x137: {  	[hbm:s21], [sflag:s11] =	dma.local [spmem:s13], $0x500  }
0x138: {  	_ =	swait.ge [sflag:s28], $0x500  }
0x139: {  	[sflag:s28] =	ssyncset.done $0x0;
	s22 =	rddreg [dreg:$0xe]  }
0x13a: {  	s23 =	rddreg [dreg:$0xa];
	[sflag:s28] =	ssyncadd.s32 $0xFFFFFB00;
	s12 =	sshrl.u32 s22, $0x3  }
0x13b: {  	[hbm:s23], [sflag:s11] =	dma.local [spmem:s12], $0x500  }
0x13c: {  	_ =	swait.ge [sflag:s28], $0x500  }
0x13d: {  	s2 =	sadd.s32 $0x1, s2;
	s24 =	rddreg [dreg:$0xf]  }
0x13e: {  	p0 =	sne.s32 s2, s24  }
.Ltmp6:
0x13f: {  	_ = 	snop;
	(pc) =	sbr.rel @p0 .LBB2_1-.Ltmp6, $3  }
0x140: {  	_ =	sdelay $0x1  }
0x141: {  	[sflag:s28] =	ssyncset.done $0x0  }
0x142: {  	[sflag:s28] =	ssyncadd.s32 $0xFFFFFB00  }
0x143: {  	_ =	sfence.sel $0x180000  }
0x144: {  	[bflag:$0x0] =	sbarrier.arrive $0xFFFF  }
0x145: {  	_ =	strace $0x90000047  }
0x146: {  	s0 =	stileid.u32;
	[bflag:$0x2] =	sbarrier.arrive $0xFFFF  }
0x147: {  	p0 =	sne.s32 s0, $0x0;
	s0 =	rddreg [dreg:$0x2]  }
0x148: {  	s0 =	sadd.s32 @!p0 $0x100000, s0  }
0x149: {  	[sflag:s0] =	ssyncadd.tile.s32 @!p0 $0x1;
	_ =	shalt  }
.Lfunc_end2:
_tile_overlayer_lowered:
.L_overlay_start_2:
0x14a: {  	(tag) =	ssettag $0x2  }
0x14b: {  	s0 =	rddreg [dreg:$0x0];
	s2 =	stileid.u32  }
0x14c: {  	s1 =	rddreg [dreg:$0x1];
	p0 =	sne.s32 s2, $0x0  }
0x14d: {  	s3 =	rddreg [dreg:$0x2];
	[bflag:$0x3] =	sbarrier.arrive $0xFFFF;
	s2 =	simm.s32 @!p0 $0x1C05  }
0x14e: {  	[timem:s3], [sflag:s2] =	dma.local @!p0 [hbm:s0], s1  }
0x14f: {  	s0 =	simm.s32 @!p0 $0x5  }
0x150: {  	_ =	swait.ge @!p0 [sflag:s0], s1  }
0x151: {  	s1 =	ssub.s32 @!p0 $0x0, s1;
	[sflag:s0] =	ssyncset.done @!p0 $0x0  }
0x152: {  	[sflag:s0] =	ssyncadd.s32 @!p0 s1  }
0x153: {  	[bflag:$0x3] =	sbarrier.arrive $0xFFFF  }
0x154: {  	_ =	shalt  }

</sc_bundles>
